<compile_context>
chip_gen: v7x
topology: tpu7x:2x2x1
jax: 0.10.2.dev20260603
libtpu: 0.0.44.dev20260713+nightly
codegen_flags: <defaults>
</compile_context>

<pallas_src>
import functools

import jax
import jax.numpy as jnp
from jax import lax
from jax.experimental import pallas as pl
from jax.experimental.pallas import tpu as pltpu
from jax.experimental.pallas import tpu_sc as plsc

N_TOK = 2048
D_IN = 512
CODE_DIM = 256
K = 8192
NUM_Q = 4
NHALF = 1
TB = N_TOK // NHALF
KT = 1024
NSTEPS = K // KT


NLANE = 128
NSLOT = KT // NLANE


def _round_init(r, rm2_ref, rn_ref, cv_ref, cs_ref):
    rm2_ref[...] = -2.0 * r
    rn_ref[...] = jnp.sum(r * r, axis=1, keepdims=True)
    cv_ref[...] = jnp.full((TB, NLANE), jnp.inf, jnp.float32)
    cs_ref[...] = jnp.zeros((TB, NLANE), jnp.float32)


def _tile_update(k, cb, rm2_ref, rn_ref, cv_ref, cs_ref):
    cbn = jnp.sum(cb * cb, axis=1)
    s2 = lax.dot_general(rm2_ref[...], cb, (((1,), (1,)), ((), ())),
                         preferred_element_type=jnp.float32)
    d = rn_ref[...] + s2 + cbn[None, :]
    cv = cv_ref[...]
    cs = cs_ref[...]
    for v in range(NSLOT):
        dv = lax.slice(d, (0, v * NLANE), (TB, (v + 1) * NLANE))
        slot = (k * NSLOT + v).astype(jnp.float32)
        mask = dv < cv
        cs = jnp.where(mask, slot, cs)
        cv = jnp.minimum(dv, cv)
    cv_ref[...] = cv
    cs_ref[...] = cs


def _emit_idx(k, q, idxf_ref, idxi_ref, cv_ref, cs_ref):
    @pl.when(k == NSTEPS - 1)
    def _():
        cv = cv_ref[...]
        cs = cs_ref[...]
        m = jnp.min(cv, axis=1, keepdims=True)
        lane = lax.broadcasted_iota(jnp.int32, cv.shape, 1).astype(jnp.float32)
        cand = jnp.where(cv == m, cs * jnp.float32(NLANE) + lane,
                         jnp.float32(2 * K))
        a = jnp.min(cand, axis=1, keepdims=True)
        idxf_ref[...] = a
        if idxi_ref is not None:
            idxi_ref[...] = a.astype(jnp.int32) + jnp.int32(q * K)


def _first_body(q, w_ref, we_ref, cb_ref, idxf_ref, idxi_ref, r_ref,
                rm2_ref, rn_ref, cv_ref, cs_ref):
    k = pl.program_id(0)

    @pl.when(k == 0)
    def _():
        z = lax.dot_general(w_ref[...], we_ref[...],
                            (((1,), (0,)), ((), ())),
                            preferred_element_type=jnp.float32)
        r_ref[...] = z
        _round_init(z, rm2_ref, rn_ref, cv_ref, cs_ref)

    _tile_update(k, cb_ref[0], rm2_ref, rn_ref, cv_ref, cs_ref)
    _emit_idx(k, q, idxf_ref, idxi_ref, cv_ref, cs_ref)


def _next_body(q, rp_ref, sel_ref, cb_ref, idxf_ref, idxi_ref, r_ref,
               rm2_ref, rn_ref, cv_ref, cs_ref):
    k = pl.program_id(0)

    @pl.when(k == 0)
    def _():
        r = rp_ref[...] - sel_ref[...]
        r_ref[...] = r
        _round_init(r, rm2_ref, rn_ref, cv_ref, cs_ref)

    _tile_update(k, cb_ref[0], rm2_ref, rn_ref, cv_ref, cs_ref)
    _emit_idx(k, q, idxf_ref, idxi_ref, cv_ref, cs_ref)


def _last_body(q, rp_ref, sel_ref, cb_ref, idxf_ref,
               rm2_ref, rn_ref, cv_ref, cs_ref):
    k = pl.program_id(0)

    @pl.when(k == 0)
    def _():
        r = rp_ref[...] - sel_ref[...]
        _round_init(r, rm2_ref, rn_ref, cv_ref, cs_ref)

    _tile_update(k, cb_ref[0], rm2_ref, rn_ref, cv_ref, cs_ref)
    _emit_idx(k, q, idxf_ref, None, cv_ref, cs_ref)


_SCRATCH = [
    pltpu.VMEM((TB, CODE_DIM), jnp.float32),
    pltpu.VMEM((TB, 1), jnp.float32),
    pltpu.VMEM((TB, NLANE), jnp.float32),
    pltpu.VMEM((TB, NLANE), jnp.float32),
]


def _cb_spec(q):
    return pl.BlockSpec((1, KT, CODE_DIM), lambda k: (q, k, 0))


_PARAMS = pltpu.CompilerParams(dimension_semantics=("arbitrary",))


def _tok_spec(cols):
    return pl.BlockSpec((TB, cols), lambda k: (0, 0))


_IDX_OUT = [
    jax.ShapeDtypeStruct((TB, 1), jnp.float32),
    jax.ShapeDtypeStruct((TB, 1), jnp.int32),
]


def _vq_first(h, weights, W_enc, codebooks):
    return pl.pallas_call(
        functools.partial(_first_body, 0),
        grid=(NSTEPS,),
        in_specs=[pl.BlockSpec((TB, D_IN), lambda k, _h=h: (_h, 0)),
                  pl.BlockSpec((D_IN, CODE_DIM), lambda k: (0, 0)),
                  _cb_spec(0)],
        out_specs=[_tok_spec(1), _tok_spec(1), _tok_spec(CODE_DIM)],
        out_shape=_IDX_OUT + [
            jax.ShapeDtypeStruct((TB, CODE_DIM), jnp.float32)],
        scratch_shapes=_SCRATCH,
        compiler_params=_PARAMS,
    )(weights, W_enc, codebooks)


def _vq_next(q, r_prev, sel_prev, codebooks):
    return pl.pallas_call(
        functools.partial(_next_body, q),
        grid=(NSTEPS,),
        in_specs=[_tok_spec(CODE_DIM), _tok_spec(CODE_DIM), _cb_spec(q)],
        out_specs=[_tok_spec(1), _tok_spec(1), _tok_spec(CODE_DIM)],
        out_shape=_IDX_OUT + [
            jax.ShapeDtypeStruct((TB, CODE_DIM), jnp.float32)],
        scratch_shapes=_SCRATCH,
        compiler_params=_PARAMS,
    )(r_prev, sel_prev, codebooks)


def _vq_last(q, r_prev, sel_prev, codebooks):
    return pl.pallas_call(
        functools.partial(_last_body, q),
        grid=(NSTEPS,),
        in_specs=[_tok_spec(CODE_DIM), _tok_spec(CODE_DIM), _cb_spec(q)],
        out_specs=[_tok_spec(1)],
        out_shape=[jax.ShapeDtypeStruct((TB, 1), jnp.float32)],
        scratch_shapes=_SCRATCH,
        compiler_params=_PARAMS,
    )(r_prev, sel_prev, codebooks)


_GATHER_CACHE = {}


def _sc_gather(flat_cb, idx):
    n = idx.shape[0]
    if n not in _GATHER_CACHE:
        info = plsc.get_sparse_core_info()
        nw = info.num_cores * info.num_subcores
        b_per_w = n // nw
        mesh = plsc.VectorSubcoreMesh(core_axis_name="c",
                                      subcore_axis_name="s")

        @functools.partial(
            pl.kernel,
            mesh=mesh,
            out_type=jax.ShapeDtypeStruct((n, CODE_DIM), jnp.float32),
            scratch_types=[
                pltpu.VMEM((b_per_w,), jnp.int32),
                pltpu.VMEM((b_per_w, CODE_DIM), jnp.float32),
                pltpu.SemaphoreType.DMA,
            ],
        )
        def gather_kernel(table_hbm, idx_hbm, out_hbm, idx_v, rows_v, sem):
            wid = lax.axis_index("s") * info.num_cores + lax.axis_index("c")
            base = wid * b_per_w
            pltpu.sync_copy(idx_hbm.at[pl.ds(base, b_per_w)], idx_v)
            pltpu.async_copy(table_hbm.at[idx_v], rows_v, sem).wait()
            pltpu.sync_copy(rows_v, out_hbm.at[pl.ds(base, b_per_w)])

        _GATHER_CACHE[n] = gather_kernel
    return _GATHER_CACHE[n](flat_cb, idx)


def kernel(weights, y, W_enc, codebooks):
    flat_cb = codebooks.reshape(NUM_Q * K, CODE_DIM)
    idx_cols = [[] for _ in range(NHALF)]
    r = [None] * NHALF
    idxi = [None] * NHALF
    for h in range(NHALF):
        f, ii, rr = _vq_first(h, weights, W_enc, codebooks)
        idx_cols[h].append(f)
        idxi[h], r[h] = ii, rr
    for q in range(1, NUM_Q):
        for h in range(NHALF):
            sel = _sc_gather(flat_cb, idxi[h].reshape(TB))
            if q < NUM_Q - 1:
                f, ii, rr = _vq_next(q, r[h], sel, codebooks)
                idxi[h], r[h] = ii, rr
            else:
                (f,) = _vq_last(q, r[h], sel, codebooks)
            idx_cols[h].append(f)
    indices = jnp.concatenate(
        [jnp.concatenate(cols, axis=1) for cols in idx_cols], axis=0)
    bos = jnp.array([K], dtype=jnp.float32)
    eos = jnp.array([K + 1], dtype=jnp.float32)
    x = jnp.concatenate([bos, indices.reshape(-1), eos])
    return (x, y)

# --- scband reference (transcript-rebuilt; emitter-appended) ---
"""Pipeline reference for scband-token-transform-16982300688842 (READ-ONLY COPY).

The authoritative reference and input builder live on the scoring server;
editing this copy changes nothing except your own understanding.
"""

import jax, jax.numpy as jnp
import numpy as np

CODEBOOK_SIZE = 8192
CODE_DIM = 256
NUM_Q = 4
D_IN = 512
N_TOK = 2048


def setup_inputs(seed: int = 0) -> dict:
    key = jax.random.key(seed)
    k1, k2, k3, k4 = jax.random.split(key, 4)
    weights = jax.random.normal(k1, (N_TOK, D_IN), dtype=jnp.float32)
    y = jax.random.normal(k2, (N_TOK, 10), dtype=jnp.float32)
    W_enc = jax.random.normal(k3, (D_IN, CODE_DIM), dtype=jnp.float32) / np.sqrt(D_IN)
    codebooks = jax.random.normal(k4, (NUM_Q, CODEBOOK_SIZE, CODE_DIM), dtype=jnp.float32)
    return {"weights": weights, "y": y, "W_enc": W_enc, "codebooks": codebooks}


def reference(weights, y, W_enc, codebooks):
    # --- model.encode_to_cb(weights): encoder + residual VQ ---
    z = weights @ W_enc  # encoder projection to code space
    residual = z
    quantized = jnp.zeros_like(z)
    idx_list = []
    for q in range(NUM_Q):
        cb = codebooks[q]  # [K, code_dim]
        # squared L2 distances [N, K]
        d = (jnp.sum(residual ** 2, axis=-1, keepdims=True)
             - 2.0 * (residual @ cb.T)
             + jnp.sum(cb ** 2, axis=-1)[None, :])
        idx = jnp.argmin(d, axis=-1)  # [N]
        sel = jnp.take(cb, idx, axis=0)  # gather codes [N, code_dim]
        quantized = quantized + sel
        residual = residual - sel
        idx_list.append(idx)
    indices = jnp.stack(idx_list, axis=-1)  # [N, Q]
    # straight-through quantized output (discarded by the wrapper, kept for fidelity)
    _x = z + jax.lax.stop_gradient(quantized - z)
    _commit_loss = jnp.mean((jax.lax.stop_gradient(quantized) - z) ** 2)
    # --- model.vq.get_codes_from_indices(indices) (computed but unused in original) ---
    codes = jnp.stack([jnp.take(codebooks[q], indices[:, q], axis=0) for q in range(NUM_Q)], axis=1)
    _ = codes
    # --- x = cat([codebook_size], indices, [codebook_size + 1]) ---
    bos = jnp.array([CODEBOOK_SIZE], dtype=jnp.float32)
    eos = jnp.array([CODEBOOK_SIZE + 1], dtype=jnp.float32)
    x = jnp.concatenate([bos, indices.reshape(-1).astype(jnp.float32), eos])
    return (x, y)

if __name__ == "__main__":
    import jax
    _d = setup_inputs()
    print(jax.jit(kernel)(*tuple(_d.values())))

</pallas_src>

<mosaic_0001>
#map = affine_map<(d0, d1) -> (0, 0)>
#map1 = affine_map<(d0, d1) -> (0)>
module attributes {stable_mosaic.version = 14 : i64} {
  func.func @gather_kernel(%arg0: i32, %arg1: i32, %arg2: memref<32768x256xf32, #tpu.memory_space<hbm>>, %arg3: memref<2048xi32, #tpu.memory_space<hbm>>, %arg4: memref<2048x256xf32, #tpu.memory_space<hbm>>, %arg5: memref<64xi32, #tpu.memory_space<vmem>>, %arg6: memref<64x256xf32, #tpu.memory_space<vmem>>, %arg7: memref<!tpu.dma_semaphore, #tpu.memory_space<semaphore_mem>>) attributes {dimension_semantics = [#tpu.dimension_semantics<core_parallel>, #tpu.dimension_semantics<subcore_parallel>], iteration_bounds = array<i64: 2, 16>, scalar_prefetch = 0 : i64, scratch_operands = 3 : i64, tpu.core_type = #tpu.core_type<sc_vector_subcore>, window_params = [{transform_indices = #map}, {transform_indices = #map1}, {transform_indices = #map}]} {
    %mul3A = arith.constant 2 : i32
    %mul3A_0 = arith.muli %arg1, %mul3A : i32
    %add3A = arith.addi %mul3A_0, %arg0 : i32
    %mul3A_1 = arith.constant 64 : i32
    %mul3A_2 = arith.muli %add3A, %mul3A_1 : i32
    "tpu.region"() ({
      %run_scoped3A = tpu.sem_alloc : memref<!tpu.dma_semaphore, #tpu.memory_space<semaphore_mem>>
      %dma_start3A_7 = tpu.memref_slice %arg3[%mul3A_2] : memref<2048xi32, #tpu.memory_space<hbm>> -> memref<64xi32, #tpu.memory_space<hbm>>
      %dma_start3A_8 = tpu.memref_slice %arg3[%mul3A_2] : memref<2048xi32, #tpu.memory_space<hbm>> -> memref<64xi32, #tpu.memory_space<hbm>>
      tpu.enqueue_dma source(%dma_start3A_8 : memref<64xi32, #tpu.memory_space<hbm>>) target(%arg5 : memref<64xi32, #tpu.memory_space<vmem>>) target_semaphore(%run_scoped3A : memref<!tpu.dma_semaphore, #tpu.memory_space<semaphore_mem>>)
      %dma_wait3A_9 = tpu.memref_slice %arg3[%mul3A_2] : memref<2048xi32, #tpu.memory_space<hbm>> -> memref<64xi32, #tpu.memory_space<hbm>>
      %dma_wait3A_10 = tpu.memref_slice %arg3[%mul3A_2] : memref<2048xi32, #tpu.memory_space<hbm>> -> memref<64xi32, #tpu.memory_space<hbm>>
      tpu.wait_dma2 semaphore(%run_scoped3A : memref<!tpu.dma_semaphore, #tpu.memory_space<semaphore_mem>>) src(%dma_wait3A_10 : memref<64xi32, #tpu.memory_space<hbm>>) dst(%arg5 : memref<64xi32, #tpu.memory_space<vmem>>)
      tpu.yield
    }) : () -> ()
    %dma_start3A = arith.constant 0 : i32
    %dma_start3A_3 = arith.constant 0 : i32
    %dma_start3A_4 = tpu.memref_slice %arg2[%dma_start3A, %dma_start3A_3] : memref<32768x256xf32, #tpu.memory_space<hbm>> -> memref<32768x256xf32, #tpu.memory_space<hbm>>
    tpu.enqueue_indirect_dma source(%dma_start3A_4 : memref<32768x256xf32, #tpu.memory_space<hbm>>) target(%arg6 : memref<64x256xf32, #tpu.memory_space<vmem>>) offsets(%arg5 : memref<64xi32, #tpu.memory_space<vmem>>) semaphore(%arg7 : memref<!tpu.dma_semaphore, #tpu.memory_space<semaphore_mem>>)
    %dma_wait3A = arith.constant 0 : i32
    %dma_wait3A_5 = arith.constant 0 : i32
    %dma_wait3A_6 = tpu.memref_slice %arg2[%dma_wait3A, %dma_wait3A_5] : memref<32768x256xf32, #tpu.memory_space<hbm>> -> memref<32768x256xf32, #tpu.memory_space<hbm>>
    tpu.wait_indirect_dma semaphore(%arg7 : memref<!tpu.dma_semaphore, #tpu.memory_space<semaphore_mem>>) src(%dma_wait3A_6 : memref<32768x256xf32, #tpu.memory_space<hbm>>) dst(%arg6 : memref<64x256xf32, #tpu.memory_space<vmem>>)
    "tpu.region"() ({
      %run_scoped3A = tpu.sem_alloc : memref<!tpu.dma_semaphore, #tpu.memory_space<semaphore_mem>>
      %dma_start3A_7 = arith.constant 0 : i32
      %dma_start3A_8 = tpu.memref_slice %arg4[%mul3A_2, %dma_start3A_7] : memref<2048x256xf32, #tpu.memory_space<hbm>> -> memref<64x256xf32, #tpu.memory_space<hbm>>
      %dma_start3A_9 = arith.constant 0 : i32
      %dma_start3A_10 = tpu.memref_slice %arg4[%mul3A_2, %dma_start3A_9] : memref<2048x256xf32, #tpu.memory_space<hbm>> -> memref<64x256xf32, #tpu.memory_space<hbm>>
      tpu.enqueue_dma source(%arg6 : memref<64x256xf32, #tpu.memory_space<vmem>>) target(%dma_start3A_10 : memref<64x256xf32, #tpu.memory_space<hbm>>) target_semaphore(%run_scoped3A : memref<!tpu.dma_semaphore, #tpu.memory_space<semaphore_mem>>)
      %dma_wait3A_11 = arith.constant 0 : i32
      %dma_wait3A_12 = tpu.memref_slice %arg4[%mul3A_2, %dma_wait3A_11] : memref<2048x256xf32, #tpu.memory_space<hbm>> -> memref<64x256xf32, #tpu.memory_space<hbm>>
      %dma_wait3A_13 = arith.constant 0 : i32
      %dma_wait3A_14 = tpu.memref_slice %arg4[%mul3A_2, %dma_wait3A_13] : memref<2048x256xf32, #tpu.memory_space<hbm>> -> memref<64x256xf32, #tpu.memory_space<hbm>>
      tpu.wait_dma2 semaphore(%run_scoped3A : memref<!tpu.dma_semaphore, #tpu.memory_space<semaphore_mem>>) src(%arg6 : memref<64x256xf32, #tpu.memory_space<vmem>>) dst(%dma_wait3A_14 : memref<64x256xf32, #tpu.memory_space<hbm>>)
      tpu.yield
    }) : () -> ()
    return
  }
}

#map = affine_map<(d0, d1) -> (0, 0)>
#map1 = affine_map<(d0, d1) -> (0)>
module attributes {stable_mosaic.version = 14 : i64} {
  func.func @gather_kernel(%arg0: i32, %arg1: i32, %arg2: memref<32768x256xf32, #tpu.memory_space<hbm>>, %arg3: memref<2048xi32, #tpu.memory_space<hbm>>, %arg4: memref<2048x256xf32, #tpu.memory_space<hbm>>, %arg5: memref<64xi32, #tpu.memory_space<vmem>>, %arg6: memref<64x256xf32, #tpu.memory_space<vmem>>, %arg7: memref<!tpu.dma_semaphore, #tpu.memory_space<semaphore_mem>>) attributes {dimension_semantics = [#tpu.dimension_semantics<core_parallel>, #tpu.dimension_semantics<subcore_parallel>], iteration_bounds = array<i64: 2, 16>, scalar_prefetch = 0 : i64, scratch_operands = 3 : i64, tpu.core_type = #tpu.core_type<sc_vector_subcore>, window_params = [{transform_indices = #map}, {transform_indices = #map1}, {transform_indices = #map}]} {
    %mul3A = arith.constant 2 : i32
    %mul3A_0 = arith.muli %arg1, %mul3A : i32
    %add3A = arith.addi %mul3A_0, %arg0 : i32
    %mul3A_1 = arith.constant 64 : i32
    %mul3A_2 = arith.muli %add3A, %mul3A_1 : i32
    "tpu.region"() ({
      %run_scoped3A = tpu.sem_alloc : memref<!tpu.dma_semaphore, #tpu.memory_space<semaphore_mem>>
      %dma_start3A_7 = tpu.memref_slice %arg3[%mul3A_2] : memref<2048xi32, #tpu.memory_space<hbm>> -> memref<64xi32, #tpu.memory_space<hbm>>
      %dma_start3A_8 = tpu.memref_slice %arg3[%mul3A_2] : memref<2048xi32, #tpu.memory_space<hbm>> -> memref<64xi32, #tpu.memory_space<hbm>>
      tpu.enqueue_dma source(%dma_start3A_8 : memref<64xi32, #tpu.memory_space<hbm>>) target(%arg5 : memref<64xi32, #tpu.memory_space<vmem>>) target_semaphore(%run_scoped3A : memref<!tpu.dma_semaphore, #tpu.memory_space<semaphore_mem>>)
      %dma_wait3A_9 = tpu.memref_slice %arg3[%mul3A_2] : memref<2048xi32, #tpu.memory_space<hbm>> -> memref<64xi32, #tpu.memory_space<hbm>>
      %dma_wait3A_10 = tpu.memref_slice %arg3[%mul3A_2] : memref<2048xi32, #tpu.memory_space<hbm>> -> memref<64xi32, #tpu.memory_space<hbm>>
      tpu.wait_dma2 semaphore(%run_scoped3A : memref<!tpu.dma_semaphore, #tpu.memory_space<semaphore_mem>>) src(%dma_wait3A_10 : memref<64xi32, #tpu.memory_space<hbm>>) dst(%arg5 : memref<64xi32, #tpu.memory_space<vmem>>)
      tpu.yield
    }) : () -> ()
    %dma_start3A = arith.constant 0 : i32
    %dma_start3A_3 = arith.constant 0 : i32
    %dma_start3A_4 = tpu.memref_slice %arg2[%dma_start3A, %dma_start3A_3] : memref<32768x256xf32, #tpu.memory_space<hbm>> -> memref<32768x256xf32, #tpu.memory_space<hbm>>
    tpu.enqueue_indirect_dma source(%dma_start3A_4 : memref<32768x256xf32, #tpu.memory_space<hbm>>) target(%arg6 : memref<64x256xf32, #tpu.memory_space<vmem>>) offsets(%arg5 : memref<64xi32, #tpu.memory_space<vmem>>) semaphore(%arg7 : memref<!tpu.dma_semaphore, #tpu.memory_space<semaphore_mem>>)
    %dma_wait3A = arith.constant 0 : i32
    %dma_wait3A_5 = arith.constant 0 : i32
    %dma_wait3A_6 = tpu.memref_slice %arg2[%dma_wait3A, %dma_wait3A_5] : memref<32768x256xf32, #tpu.memory_space<hbm>> -> memref<32768x256xf32, #tpu.memory_space<hbm>>
    tpu.wait_indirect_dma semaphore(%arg7 : memref<!tpu.dma_semaphore, #tpu.memory_space<semaphore_mem>>) src(%dma_wait3A_6 : memref<32768x256xf32, #tpu.memory_space<hbm>>) dst(%arg6 : memref<64x256xf32, #tpu.memory_space<vmem>>)
    "tpu.region"() ({
      %run_scoped3A = tpu.sem_alloc : memref<!tpu.dma_semaphore, #tpu.memory_space<semaphore_mem>>
      %dma_start3A_7 = arith.constant 0 : i32
      %dma_start3A_8 = tpu.memref_slice %arg4[%mul3A_2, %dma_start3A_7] : memref<2048x256xf32, #tpu.memory_space<hbm>> -> memref<64x256xf32, #tpu.memory_space<hbm>>
      %dma_start3A_9 = arith.constant 0 : i32
      %dma_start3A_10 = tpu.memref_slice %arg4[%mul3A_2, %dma_start3A_9] : memref<2048x256xf32, #tpu.memory_space<hbm>> -> memref<64x256xf32, #tpu.memory_space<hbm>>
      tpu.enqueue_dma source(%arg6 : memref<64x256xf32, #tpu.memory_space<vmem>>) target(%dma_start3A_10 : memref<64x256xf32, #tpu.memory_space<hbm>>) target_semaphore(%run_scoped3A : memref<!tpu.dma_semaphore, #tpu.memory_space<semaphore_mem>>)
      %dma_wait3A_11 = arith.constant 0 : i32
      %dma_wait3A_12 = tpu.memref_slice %arg4[%mul3A_2, %dma_wait3A_11] : memref<2048x256xf32, #tpu.memory_space<hbm>> -> memref<64x256xf32, #tpu.memory_space<hbm>>
      %dma_wait3A_13 = arith.constant 0 : i32
      %dma_wait3A_14 = tpu.memref_slice %arg4[%mul3A_2, %dma_wait3A_13] : memref<2048x256xf32, #tpu.memory_space<hbm>> -> memref<64x256xf32, #tpu.memory_space<hbm>>
      tpu.wait_dma2 semaphore(%run_scoped3A : memref<!tpu.dma_semaphore, #tpu.memory_space<semaphore_mem>>) src(%arg6 : memref<64x256xf32, #tpu.memory_space<vmem>>) dst(%dma_wait3A_14 : memref<64x256xf32, #tpu.memory_space<hbm>>)
      tpu.yield
    }) : () -> ()
    return
  }
}

#map = affine_map<(d0, d1) -> (0, 0)>
#map1 = affine_map<(d0, d1) -> (0)>
module attributes {stable_mosaic.version = 14 : i64} {
  func.func @gather_kernel(%arg0: i32, %arg1: i32, %arg2: memref<32768x256xf32, #tpu.memory_space<hbm>>, %arg3: memref<2048xi32, #tpu.memory_space<hbm>>, %arg4: memref<2048x256xf32, #tpu.memory_space<hbm>>, %arg5: memref<64xi32, #tpu.memory_space<vmem>>, %arg6: memref<64x256xf32, #tpu.memory_space<vmem>>, %arg7: memref<!tpu.dma_semaphore, #tpu.memory_space<semaphore_mem>>) attributes {dimension_semantics = [#tpu.dimension_semantics<core_parallel>, #tpu.dimension_semantics<subcore_parallel>], iteration_bounds = array<i64: 2, 16>, scalar_prefetch = 0 : i64, scratch_operands = 3 : i64, tpu.core_type = #tpu.core_type<sc_vector_subcore>, window_params = [{transform_indices = #map}, {transform_indices = #map1}, {transform_indices = #map}]} {
    %mul3A = arith.constant 2 : i32
    %mul3A_0 = arith.muli %arg1, %mul3A : i32
    %add3A = arith.addi %mul3A_0, %arg0 : i32
    %mul3A_1 = arith.constant 64 : i32
    %mul3A_2 = arith.muli %add3A, %mul3A_1 : i32
    "tpu.region"() ({
      %run_scoped3A = tpu.sem_alloc : memref<!tpu.dma_semaphore, #tpu.memory_space<semaphore_mem>>
      %dma_start3A_7 = tpu.memref_slice %arg3[%mul3A_2] : memref<2048xi32, #tpu.memory_space<hbm>> -> memref<64xi32, #tpu.memory_space<hbm>>
      %dma_start3A_8 = tpu.memref_slice %arg3[%mul3A_2] : memref<2048xi32, #tpu.memory_space<hbm>> -> memref<64xi32, #tpu.memory_space<hbm>>
      tpu.enqueue_dma source(%dma_start3A_8 : memref<64xi32, #tpu.memory_space<hbm>>) target(%arg5 : memref<64xi32, #tpu.memory_space<vmem>>) target_semaphore(%run_scoped3A : memref<!tpu.dma_semaphore, #tpu.memory_space<semaphore_mem>>)
      %dma_wait3A_9 = tpu.memref_slice %arg3[%mul3A_2] : memref<2048xi32, #tpu.memory_space<hbm>> -> memref<64xi32, #tpu.memory_space<hbm>>
      %dma_wait3A_10 = tpu.memref_slice %arg3[%mul3A_2] : memref<2048xi32, #tpu.memory_space<hbm>> -> memref<64xi32, #tpu.memory_space<hbm>>
      tpu.wait_dma2 semaphore(%run_scoped3A : memref<!tpu.dma_semaphore, #tpu.memory_space<semaphore_mem>>) src(%dma_wait3A_10 : memref<64xi32, #tpu.memory_space<hbm>>) dst(%arg5 : memref<64xi32, #tpu.memory_space<vmem>>)
      tpu.yield
    }) : () -> ()
    %dma_start3A = arith.constant 0 : i32
    %dma_start3A_3 = arith.constant 0 : i32
    %dma_start3A_4 = tpu.memref_slice %arg2[%dma_start3A, %dma_start3A_3] : memref<32768x256xf32, #tpu.memory_space<hbm>> -> memref<32768x256xf32, #tpu.memory_space<hbm>>
    tpu.enqueue_indirect_dma source(%dma_start3A_4 : memref<32768x256xf32, #tpu.memory_space<hbm>>) target(%arg6 : memref<64x256xf32, #tpu.memory_space<vmem>>) offsets(%arg5 : memref<64xi32, #tpu.memory_space<vmem>>) semaphore(%arg7 : memref<!tpu.dma_semaphore, #tpu.memory_space<semaphore_mem>>)
    %dma_wait3A = arith.constant 0 : i32
    %dma_wait3A_5 = arith.constant 0 : i32
    %dma_wait3A_6 = tpu.memref_slice %arg2[%dma_wait3A, %dma_wait3A_5] : memref<32768x256xf32, #tpu.memory_space<hbm>> -> memref<32768x256xf32, #tpu.memory_space<hbm>>
    tpu.wait_indirect_dma semaphore(%arg7 : memref<!tpu.dma_semaphore, #tpu.memory_space<semaphore_mem>>) src(%dma_wait3A_6 : memref<32768x256xf32, #tpu.memory_space<hbm>>) dst(%arg6 : memref<64x256xf32, #tpu.memory_space<vmem>>)
    "tpu.region"() ({
      %run_scoped3A = tpu.sem_alloc : memref<!tpu.dma_semaphore, #tpu.memory_space<semaphore_mem>>
      %dma_start3A_7 = arith.constant 0 : i32
      %dma_start3A_8 = tpu.memref_slice %arg4[%mul3A_2, %dma_start3A_7] : memref<2048x256xf32, #tpu.memory_space<hbm>> -> memref<64x256xf32, #tpu.memory_space<hbm>>
      %dma_start3A_9 = arith.constant 0 : i32
      %dma_start3A_10 = tpu.memref_slice %arg4[%mul3A_2, %dma_start3A_9] : memref<2048x256xf32, #tpu.memory_space<hbm>> -> memref<64x256xf32, #tpu.memory_space<hbm>>
      tpu.enqueue_dma source(%arg6 : memref<64x256xf32, #tpu.memory_space<vmem>>) target(%dma_start3A_10 : memref<64x256xf32, #tpu.memory_space<hbm>>) target_semaphore(%run_scoped3A : memref<!tpu.dma_semaphore, #tpu.memory_space<semaphore_mem>>)
      %dma_wait3A_11 = arith.constant 0 : i32
      %dma_wait3A_12 = tpu.memref_slice %arg4[%mul3A_2, %dma_wait3A_11] : memref<2048x256xf32, #tpu.memory_space<hbm>> -> memref<64x256xf32, #tpu.memory_space<hbm>>
      %dma_wait3A_13 = arith.constant 0 : i32
      %dma_wait3A_14 = tpu.memref_slice %arg4[%mul3A_2, %dma_wait3A_13] : memref<2048x256xf32, #tpu.memory_space<hbm>> -> memref<64x256xf32, #tpu.memory_space<hbm>>
      tpu.wait_dma2 semaphore(%run_scoped3A : memref<!tpu.dma_semaphore, #tpu.memory_space<semaphore_mem>>) src(%arg6 : memref<64x256xf32, #tpu.memory_space<vmem>>) dst(%dma_wait3A_14 : memref<64x256xf32, #tpu.memory_space<hbm>>)
      tpu.yield
    }) : () -> ()
    return
  }
}

module attributes {stable_mosaic.version = 14 : i64} {
  func.func @_first_body(%arg0: i32, %arg1: memref<2048x512xf32, #tpu.memory_space<vmem>>, %arg2: memref<512x256xf32, #tpu.memory_space<vmem>>, %arg3: memref<1x1024x256xf32, #tpu.memory_space<vmem>>, %arg4: memref<2048x1xf32, #tpu.memory_space<vmem>>, %arg5: memref<2048x1xi32, #tpu.memory_space<vmem>>, %arg6: memref<2048x256xf32, #tpu.memory_space<vmem>>, %arg7: memref<2048x256xf32, #tpu.memory_space<vmem>>, %arg8: memref<2048x1xf32, #tpu.memory_space<vmem>>, %arg9: memref<2048x128xf32, #tpu.memory_space<vmem>>, %arg10: memref<2048x128xf32, #tpu.memory_space<vmem>>) attributes {dimension_semantics = [#tpu.dimension_semantics<arbitrary>], iteration_bounds = array<i64: 8>, scalar_prefetch = 0 : i64, scratch_operands = 4 : i64, tpu.core_type = #tpu.core_type<tc>, window_params = [{pipeline_mode = #tpu.pipeline_mode<synchronous>, transform_indices = @transform_0, window_bounds = array<i64: 2048, 512>}, {pipeline_mode = #tpu.pipeline_mode<synchronous>, transform_indices = @transform_1, window_bounds = array<i64: 512, 256>}, {transform_indices = @transform_2, window_bounds = array<i64: 1, 1024, 256>}, {pipeline_mode = #tpu.pipeline_mode<synchronous>, transform_indices = @transform_3, window_bounds = array<i64: 2048, 1>}, {pipeline_mode = #tpu.pipeline_mode<synchronous>, transform_indices = @transform_4, window_bounds = array<i64: 2048, 1>}, {pipeline_mode = #tpu.pipeline_mode<synchronous>, transform_indices = @transform_5, window_bounds = array<i64: 2048, 256>}]} {
    %eq3A = arith.constant 0 : i32
    %eq3A_0 = arith.cmpi eq, %arg0, %eq3A : i32
    %convert_element_type3A = arith.extui %eq3A_0 : i1 to i32
    %cond3A = arith.constant 0 : i32
    %cond3A_1 = arith.cmpi ne, %convert_element_type3A, %cond3A : i32
    scf.if %cond3A_1 {
      %get3A_109 = arith.constant 0 : index
      %get3A_110 = arith.constant 0 : index
      %get3A_111 = vector.load %arg1[%get3A_109, %get3A_110] : memref<2048x512xf32, #tpu.memory_space<vmem>>, vector<2048x512xf32>
      %get3A_112 = arith.constant 0 : index
      %get3A_113 = arith.constant 0 : index
      %get3A_114 = vector.load %arg2[%get3A_112, %get3A_113] : memref<512x256xf32, #tpu.memory_space<vmem>>, vector<512x256xf32>
      %dot_general3A_115 = arith.constant dense<0.000000e+00> : vector<2048x256xf32>
      %dot_general3A_116 = tpu.matmul %get3A_111, %get3A_114, %dot_general3A_115 {dimension_numbers = #tpu.dot_dimension_numbers<[1], [0], [0], [1], [0, 0, 1, 1], [], []>, transpose_lhs_hint = false} : vector<2048x512xf32>, vector<512x256xf32>, vector<2048x256xf32> -> vector<2048x256xf32>
      %swap3A_117 = arith.constant 0 : index
      %swap3A_118 = arith.constant 0 : index
      %swap3A_119 = vector.load %arg6[%swap3A_117, %swap3A_118] : memref<2048x256xf32, #tpu.memory_space<vmem>>, vector<2048x256xf32>
      tpu.vector_store %arg6[%swap3A_117, %swap3A_118], %dot_general3A_116 {strides = array<i32>} : memref<2048x256xf32, #tpu.memory_space<vmem>>, vector<2048x256xf32>,
      %mul3A_120 = arith.constant -2.000000e+00 : f32
      %mul3A_121 = vector.broadcast %mul3A_120 : f32 to vector<2048x256xf32>
      %mul3A_122 = arith.mulf %mul3A_121, %dot_general3A_116 : vector<2048x256xf32>
      %swap3A_123 = arith.constant 0 : index
      %swap3A_124 = arith.constant 0 : index
      %swap3A_125 = vector.load %arg7[%swap3A_123, %swap3A_124] : memref<2048x256xf32, #tpu.memory_space<vmem>>, vector<2048x256xf32>
      tpu.vector_store %arg7[%swap3A_123, %swap3A_124], %mul3A_122 {strides = array<i32>} : memref<2048x256xf32, #tpu.memory_space<vmem>>, vector<2048x256xf32>,
      %mul3A_126 = arith.mulf %dot_general3A_116, %dot_general3A_116 : vector<2048x256xf32>
      %reduce_sum3A_127 = arith.constant dense<0.000000e+00> : vector<2048xf32>
      %reduce_sum3A_128 = vector.multi_reduction <add>, %mul3A_126, %reduce_sum3A_127 [1] : vector<2048x256xf32> to vector<2048xf32>
      %broadcast_in_dim3A_129 = vector.shape_cast %reduce_sum3A_128 : vector<2048xf32> to vector<2048x1xf32>
      %swap3A_130 = arith.constant 0 : index
      %swap3A_131 = arith.constant 0 : index
      %swap3A_132 = vector.load %arg8[%swap3A_130, %swap3A_131] : memref<2048x1xf32, #tpu.memory_space<vmem>>, vector<2048x1xf32>
      tpu.vector_store %arg8[%swap3A_130, %swap3A_131], %broadcast_in_dim3A_129 {strides = array<i32>} : memref<2048x1xf32, #tpu.memory_space<vmem>>, vector<2048x1xf32>,
      %broadcast_in_dim3A_133 = arith.constant 0x7F800000 : f32
      %broadcast_in_dim3A_134 = vector.broadcast %broadcast_in_dim3A_133 : f32 to vector<2048x128xf32>
      %swap3A_135 = arith.constant 0 : index
      %swap3A_136 = arith.constant 0 : index
      %swap3A_137 = vector.load %arg9[%swap3A_135, %swap3A_136] : memref<2048x128xf32, #tpu.memory_space<vmem>>, vector<2048x128xf32>
      tpu.vector_store %arg9[%swap3A_135, %swap3A_136], %broadcast_in_dim3A_134 {strides = array<i32>} : memref<2048x128xf32, #tpu.memory_space<vmem>>, vector<2048x128xf32>,
      %broadcast_in_dim3A_138 = arith.constant 0.000000e+00 : f32
      %broadcast_in_dim3A_139 = vector.broadcast %broadcast_in_dim3A_138 : f32 to vector<2048x128xf32>
      %swap3A_140 = arith.constant 0 : index
      %swap3A_141 = arith.constant 0 : index
      %swap3A_142 = vector.load %arg10[%swap3A_140, %swap3A_141] : memref<2048x128xf32, #tpu.memory_space<vmem>>, vector<2048x128xf32>
      tpu.vector_store %arg10[%swap3A_140, %swap3A_141], %broadcast_in_dim3A_139 {strides = array<i32>} : memref<2048x128xf32, #tpu.memory_space<vmem>>, vector<2048x128xf32>,
    } else {
    }
    %get3A = arith.constant 0 : index
    %get3A_2 = arith.constant 0 : index
    %get3A_3 = arith.constant 0 : index
    %get3A_4 = vector.load %arg3[%get3A, %get3A_2, %get3A_3] : memref<1x1024x256xf32, #tpu.memory_space<vmem>>, vector<1x1024x256xf32>
    %get3A_5 = vector.shape_cast %get3A_4 : vector<1x1024x256xf32> to vector<1024x256xf32>
    %mul3A = arith.mulf %get3A_5, %get3A_5 : vector<1024x256xf32>
    %reduce_sum3A = arith.constant dense<0.000000e+00> : vector<1024xf32>
    %reduce_sum3A_6 = vector.multi_reduction <add>, %mul3A, %reduce_sum3A [1] : vector<1024x256xf32> to vector<1024xf32>
    %get3A_7 = arith.constant 0 : index
    %get3A_8 = arith.constant 0 : index
    %get3A_9 = vector.load %arg7[%get3A_7, %get3A_8] : memref<2048x256xf32, #tpu.memory_space<vmem>>, vector<2048x256xf32>
    %dot_general3A = arith.constant dense<0.000000e+00> : vector<2048x1024xf32>
    %dot_general3A_10 = tpu.matmul %get3A_9, %get3A_5, %dot_general3A {dimension_numbers = #tpu.dot_dimension_numbers<[1], [1], [0], [0], [0, 0, 1, 0], [], []>, transpose_lhs_hint = false} : vector<2048x256xf32>, vector<1024x256xf32>, vector<2048x1024xf32> -> vector<2048x1024xf32>
    %get3A_11 = arith.constant 0 : index
    %get3A_12 = arith.constant 0 : index
    %get3A_13 = vector.load %arg8[%get3A_11, %get3A_12] : memref<2048x1xf32, #tpu.memory_space<vmem>>, vector<2048x1xf32>
    %add3A = vector.broadcast %get3A_13 : vector<2048x1xf32> to vector<2048x1024xf32>
    %add3A_14 = arith.addf %add3A, %dot_general3A_10 : vector<2048x1024xf32>
    %broadcast_in_dim3A = vector.shape_cast %reduce_sum3A_6 : vector<1024xf32> to vector<1x1024xf32>
    %add3A_15 = vector.broadcast %broadcast_in_dim3A : vector<1x1024xf32> to vector<2048x1024xf32>
    %add3A_16 = arith.addf %add3A_14, %add3A_15 : vector<2048x1024xf32>
    %get3A_17 = arith.constant 0 : index
    %get3A_18 = arith.constant 0 : index
    %get3A_19 = vector.load %arg9[%get3A_17, %get3A_18] : memref<2048x128xf32, #tpu.memory_space<vmem>>, vector<2048x128xf32>
    %get3A_20 = arith.constant 0 : index
    %get3A_21 = arith.constant 0 : index
    %get3A_22 = vector.load %arg10[%get3A_20, %get3A_21] : memref<2048x128xf32, #tpu.memory_space<vmem>>, vector<2048x128xf32>
    %slice3A = vector.extract_strided_slice %add3A_16 {offsets = [0, 0], sizes = [2048, 128], strides = [1, 1]} : vector<2048x1024xf32> to vector<2048x128xf32>
    %mul3A_23 = arith.constant 8 : i32
    %mul3A_24 = arith.muli %arg0, %mul3A_23 : i32
    %add3A_25 = arith.constant 0 : i32
    %add3A_26 = arith.addi %mul3A_24, %add3A_25 : i32
    %convert_element_type3A_27 = arith.sitofp %add3A_26 : i32 to f32
    %lt3A = arith.cmpf olt, %slice3A, %get3A_19 : vector<2048x128xf32>
    %broadcast_in_dim3A_28 = vector.broadcast %convert_element_type3A_27 : f32 to vector<2048x128xf32>
    %select_n3A = arith.select %lt3A, %broadcast_in_dim3A_28, %get3A_22 : vector<2048x128xi1>, vector<2048x128xf32>
    %min3A = arith.minimumf %slice3A, %get3A_19 : vector<2048x128xf32>
    %slice3A_29 = vector.extract_strided_slice %add3A_16 {offsets = [0, 128], sizes = [2048, 128], strides = [1, 1]} : vector<2048x1024xf32> to vector<2048x128xf32>
    %mul3A_30 = arith.constant 8 : i32
    %mul3A_31 = arith.muli %arg0, %mul3A_30 : i32
    %add3A_32 = arith.constant 1 : i32
    %add3A_33 = arith.addi %mul3A_31, %add3A_32 : i32
    %convert_element_type3A_34 = arith.sitofp %add3A_33 : i32 to f32
    %lt3A_35 = arith.cmpf olt, %slice3A_29, %min3A : vector<2048x128xf32>
    %broadcast_in_dim3A_36 = vector.broadcast %convert_element_type3A_34 : f32 to vector<2048x128xf32>
    %select_n3A_37 = arith.select %lt3A_35, %broadcast_in_dim3A_36, %select_n3A : vector<2048x128xi1>, vector<2048x128xf32>
    %min3A_38 = arith.minimumf %slice3A_29, %min3A : vector<2048x128xf32>
    %slice3A_39 = vector.extract_strided_slice %add3A_16 {offsets = [0, 256], sizes = [2048, 128], strides = [1, 1]} : vector<2048x1024xf32> to vector<2048x128xf32>
    %mul3A_40 = arith.constant 8 : i32
    %mul3A_41 = arith.muli %arg0, %mul3A_40 : i32
    %add3A_42 = arith.constant 2 : i32
    %add3A_43 = arith.addi %mul3A_41, %add3A_42 : i32
    %convert_element_type3A_44 = arith.sitofp %add3A_43 : i32 to f32
    %lt3A_45 = arith.cmpf olt, %slice3A_39, %min3A_38 : vector<2048x128xf32>
    %broadcast_in_dim3A_46 = vector.broadcast %convert_element_type3A_44 : f32 to vector<2048x128xf32>
    %select_n3A_47 = arith.select %lt3A_45, %broadcast_in_dim3A_46, %select_n3A_37 : vector<2048x128xi1>, vector<2048x128xf32>
    %min3A_48 = arith.minimumf %slice3A_39, %min3A_38 : vector<2048x128xf32>
    %slice3A_49 = vector.extract_strided_slice %add3A_16 {offsets = [0, 384], sizes = [2048, 128], strides = [1, 1]} : vector<2048x1024xf32> to vector<2048x128xf32>
    %mul3A_50 = arith.constant 8 : i32
    %mul3A_51 = arith.muli %arg0, %mul3A_50 : i32
    %add3A_52 = arith.constant 3 : i32
    %add3A_53 = arith.addi %mul3A_51, %add3A_52 : i32
    %convert_element_type3A_54 = arith.sitofp %add3A_53 : i32 to f32
    %lt3A_55 = arith.cmpf olt, %slice3A_49, %min3A_48 : vector<2048x128xf32>
    %broadcast_in_dim3A_56 = vector.broadcast %convert_element_type3A_54 : f32 to vector<2048x128xf32>
    %select_n3A_57 = arith.select %lt3A_55, %broadcast_in_dim3A_56, %select_n3A_47 : vector<2048x128xi1>, vector<2048x128xf32>
    %min3A_58 = arith.minimumf %slice3A_49, %min3A_48 : vector<2048x128xf32>
    %slice3A_59 = vector.extract_strided_slice %add3A_16 {offsets = [0, 512], sizes = [2048, 128], strides = [1, 1]} : vector<2048x1024xf32> to vector<2048x128xf32>
    %mul3A_60 = arith.constant 8 : i32
    %mul3A_61 = arith.muli %arg0, %mul3A_60 : i32
    %add3A_62 = arith.constant 4 : i32
    %add3A_63 = arith.addi %mul3A_61, %add3A_62 : i32
    %convert_element_type3A_64 = arith.sitofp %add3A_63 : i32 to f32
    %lt3A_65 = arith.cmpf olt, %slice3A_59, %min3A_58 : vector<2048x128xf32>
    %broadcast_in_dim3A_66 = vector.broadcast %convert_element_type3A_64 : f32 to vector<2048x128xf32>
    %select_n3A_67 = arith.select %lt3A_65, %broadcast_in_dim3A_66, %select_n3A_57 : vector<2048x128xi1>, vector<2048x128xf32>
    %min3A_68 = arith.minimumf %slice3A_59, %min3A_58 : vector<2048x128xf32>
    %slice3A_69 = vector.extract_strided_slice %add3A_16 {offsets = [0, 640], sizes = [2048, 128], strides = [1, 1]} : vector<2048x1024xf32> to vector<2048x128xf32>
    %mul3A_70 = arith.constant 8 : i32
    %mul3A_71 = arith.muli %arg0, %mul3A_70 : i32
    %add3A_72 = arith.constant 5 : i32
    %add3A_73 = arith.addi %mul3A_71, %add3A_72 : i32
    %convert_element_type3A_74 = arith.sitofp %add3A_73 : i32 to f32
    %lt3A_75 = arith.cmpf olt, %slice3A_69, %min3A_68 : vector<2048x128xf32>
    %broadcast_in_dim3A_76 = vector.broadcast %convert_element_type3A_74 : f32 to vector<2048x128xf32>
    %select_n3A_77 = arith.select %lt3A_75, %broadcast_in_dim3A_76, %select_n3A_67 : vector<2048x128xi1>, vector<2048x128xf32>
    %min3A_78 = arith.minimumf %slice3A_69, %min3A_68 : vector<2048x128xf32>
    %slice3A_79 = vector.extract_strided_slice %add3A_16 {offsets = [0, 768], sizes = [2048, 128], strides = [1, 1]} : vector<2048x1024xf32> to vector<2048x128xf32>
    %mul3A_80 = arith.constant 8 : i32
    %mul3A_81 = arith.muli %arg0, %mul3A_80 : i32
    %add3A_82 = arith.constant 6 : i32
    %add3A_83 = arith.addi %mul3A_81, %add3A_82 : i32
    %convert_element_type3A_84 = arith.sitofp %add3A_83 : i32 to f32
    %lt3A_85 = arith.cmpf olt, %slice3A_79, %min3A_78 : vector<2048x128xf32>
    %broadcast_in_dim3A_86 = vector.broadcast %convert_element_type3A_84 : f32 to vector<2048x128xf32>
    %select_n3A_87 = arith.select %lt3A_85, %broadcast_in_dim3A_86, %select_n3A_77 : vector<2048x128xi1>, vector<2048x128xf32>
    %min3A_88 = arith.minimumf %slice3A_79, %min3A_78 : vector<2048x128xf32>
    %slice3A_89 = vector.extract_strided_slice %add3A_16 {offsets = [0, 896], sizes = [2048, 128], strides = [1, 1]} : vector<2048x1024xf32> to vector<2048x128xf32>
    %mul3A_90 = arith.constant 8 : i32
    %mul3A_91 = arith.muli %arg0, %mul3A_90 : i32
    %add3A_92 = arith.constant 7 : i32
    %add3A_93 = arith.addi %mul3A_91, %add3A_92 : i32
    %convert_element_type3A_94 = arith.sitofp %add3A_93 : i32 to f32
    %lt3A_95 = arith.cmpf olt, %slice3A_89, %min3A_88 : vector<2048x128xf32>
    %broadcast_in_dim3A_96 = vector.broadcast %convert_element_type3A_94 : f32 to vector<2048x128xf32>
    %select_n3A_97 = arith.select %lt3A_95, %broadcast_in_dim3A_96, %select_n3A_87 : vector<2048x128xi1>, vector<2048x128xf32>
    %min3A_98 = arith.minimumf %slice3A_89, %min3A_88 : vector<2048x128xf32>
    %swap3A = arith.constant 0 : index
    %swap3A_99 = arith.constant 0 : index
    %swap3A_100 = vector.load %arg9[%swap3A, %swap3A_99] : memref<2048x128xf32, #tpu.memory_space<vmem>>, vector<2048x128xf32>
    tpu.vector_store %arg9[%swap3A, %swap3A_99], %min3A_98 {strides = array<i32>} : memref<2048x128xf32, #tpu.memory_space<vmem>>, vector<2048x128xf32>,
    %swap3A_101 = arith.constant 0 : index
    %swap3A_102 = arith.constant 0 : index
    %swap3A_103 = vector.load %arg10[%swap3A_101, %swap3A_102] : memref<2048x128xf32, #tpu.memory_space<vmem>>, vector<2048x128xf32>
    tpu.vector_store %arg10[%swap3A_101, %swap3A_102], %select_n3A_97 {strides = array<i32>} : memref<2048x128xf32, #tpu.memory_space<vmem>>, vector<2048x128xf32>,
    %eq3A_104 = arith.constant 7 : i32
    %eq3A_105 = arith.cmpi eq, %arg0, %eq3A_104 : i32
    %convert_element_type3A_106 = arith.extui %eq3A_105 : i1 to i32
    %cond3A_107 = arith.constant 0 : i32
    %cond3A_108 = arith.cmpi ne, %convert_element_type3A_106, %cond3A_107 : i32
    scf.if %cond3A_108 {
      %get3A_109 = arith.constant 0 : index
      %get3A_110 = arith.constant 0 : index
      %get3A_111 = vector.load %arg9[%get3A_109, %get3A_110] : memref<2048x128xf32, #tpu.memory_space<vmem>>, vector<2048x128xf32>
      %get3A_112 = arith.constant 0 : index
      %get3A_113 = arith.constant 0 : index
      %get3A_114 = vector.load %arg10[%get3A_112, %get3A_113] : memref<2048x128xf32, #tpu.memory_space<vmem>>, vector<2048x128xf32>
      %reduce_min3A = arith.constant dense<0x7F800000> : vector<2048xf32>
      %reduce_min3A_115 = vector.multi_reduction <minimumf>, %get3A_111, %reduce_min3A [1] : vector<2048x128xf32> to vector<2048xf32>
      %broadcast_in_dim3A_116 = vector.shape_cast %reduce_min3A_115 : vector<2048xf32> to vector<2048x1xf32>
      %iota3A = tpu.iota {dimensions = array<i32: 1>} : vector<2048x128xi32>
      %convert_element_type3A_117 = arith.sitofp %iota3A : vector<2048x128xi32> to vector<2048x128xf32>
      %eq3A_118 = vector.broadcast %broadcast_in_dim3A_116 : vector<2048x1xf32> to vector<2048x128xf32>
      %eq3A_119 = arith.cmpf oeq, %get3A_111, %eq3A_118 : vector<2048x128xf32>
      %mul3A_120 = arith.constant 1.280000e+02 : f32
      %mul3A_121 = vector.broadcast %mul3A_120 : f32 to vector<2048x128xf32>
      %mul3A_122 = arith.mulf %get3A_114, %mul3A_121 : vector<2048x128xf32>
      %add3A_123 = arith.addf %mul3A_122, %convert_element_type3A_117 : vector<2048x128xf32>
      %jit3A = arith.constant 1.638400e+04 : f32
      %broadcast_in_dim3A_124 = vector.broadcast %jit3A : f32 to vector<2048x128xf32>
      %select_n3A_125 = arith.select %eq3A_119, %add3A_123, %broadcast_in_dim3A_124 : vector<2048x128xi1>, vector<2048x128xf32>
      %reduce_min3A_126 = arith.constant dense<0x7F800000> : vector<2048xf32>
      %reduce_min3A_127 = vector.multi_reduction <minimumf>, %select_n3A_125, %reduce_min3A_126 [1] : vector<2048x128xf32> to vector<2048xf32>
      %broadcast_in_dim3A_128 = vector.shape_cast %reduce_min3A_127 : vector<2048xf32> to vector<2048x1xf32>
      %swap3A_129 = arith.constant 0 : index
      %swap3A_130 = arith.constant 0 : index
      %swap3A_131 = vector.load %arg4[%swap3A_129, %swap3A_130] : memref<2048x1xf32, #tpu.memory_space<vmem>>, vector<2048x1xf32>
      tpu.vector_store %arg4[%swap3A_129, %swap3A_130], %broadcast_in_dim3A_128 {strides = array<i32>} : memref<2048x1xf32, #tpu.memory_space<vmem>>, vector<2048x1xf32>,
      %convert_element_type3A_132 = arith.fptosi %broadcast_in_dim3A_128 : vector<2048x1xf32> to vector<2048x1xi32>
      %add3A_133 = arith.constant 0 : i32
      %add3A_134 = vector.broadcast %add3A_133 : i32 to vector<2048x1xi32>
      %add3A_135 = arith.addi %convert_element_type3A_132, %add3A_134 : vector<2048x1xi32>
      %swap3A_136 = arith.constant 0 : index
      %swap3A_137 = arith.constant 0 : index
      %swap3A_138 = vector.load %arg5[%swap3A_136, %swap3A_137] : memref<2048x1xi32, #tpu.memory_space<vmem>>, vector<2048x1xi32>
      tpu.vector_store %arg5[%swap3A_136, %swap3A_137], %add3A_135 {strides = array<i32>} : memref<2048x1xi32, #tpu.memory_space<vmem>>, vector<2048x1xi32>,
    } else {
    }
    return
  }
  func.func @transform_0(%arg0: i32) -> (i32, i32) {
    %c0_i32 = arith.constant 0 : i32
    %c0_i32_0 = arith.constant 0 : i32
    %c0_i32_1 = arith.constant 0 : i32
    return %c0_i32, %c0_i32_0 : i32, i32
  }
  func.func @transform_1(%arg0: i32) -> (i32, i32) {
    %c0_i32 = arith.constant 0 : i32
    %c0_i32_0 = arith.constant 0 : i32
    %c0_i32_1 = arith.constant 0 : i32
    return %c0_i32, %c0_i32_0 : i32, i32
  }
  func.func @transform_2(%arg0: i32) -> (i32, i32, i32) {
    %c0_i32 = arith.constant 0 : i32
    %c0_i32_0 = arith.constant 0 : i32
    %c0_i32_1 = arith.constant 0 : i32
    return %c0_i32, %arg0, %c0_i32_0 : i32, i32, i32
  }
  func.func @transform_3(%arg0: i32) -> (i32, i32) {
    %c0_i32 = arith.constant 0 : i32
    %c0_i32_0 = arith.constant 0 : i32
    %c0_i32_1 = arith.constant 0 : i32
    return %c0_i32, %c0_i32_0 : i32, i32
  }
  func.func @transform_4(%arg0: i32) -> (i32, i32) {
    %c0_i32 = arith.constant 0 : i32
    %c0_i32_0 = arith.constant 0 : i32
    %c0_i32_1 = arith.constant 0 : i32
    return %c0_i32, %c0_i32_0 : i32, i32
  }
  func.func @transform_5(%arg0: i32) -> (i32, i32) {
    %c0_i32 = arith.constant 0 : i32
    %c0_i32_0 = arith.constant 0 : i32
    %c0_i32_1 = arith.constant 0 : i32
    return %c0_i32, %c0_i32_0 : i32, i32
  }
}

module attributes {stable_mosaic.version = 14 : i64} {
  func.func @_next_body(%arg0: i32, %arg1: memref<2048x256xf32, #tpu.memory_space<vmem>>, %arg2: memref<2048x256xf32, #tpu.memory_space<vmem>>, %arg3: memref<1x1024x256xf32, #tpu.memory_space<vmem>>, %arg4: memref<2048x1xf32, #tpu.memory_space<vmem>>, %arg5: memref<2048x1xi32, #tpu.memory_space<vmem>>, %arg6: memref<2048x256xf32, #tpu.memory_space<vmem>>, %arg7: memref<2048x256xf32, #tpu.memory_space<vmem>>, %arg8: memref<2048x1xf32, #tpu.memory_space<vmem>>, %arg9: memref<2048x128xf32, #tpu.memory_space<vmem>>, %arg10: memref<2048x128xf32, #tpu.memory_space<vmem>>) attributes {dimension_semantics = [#tpu.dimension_semantics<arbitrary>], iteration_bounds = array<i64: 8>, scalar_prefetch = 0 : i64, scratch_operands = 4 : i64, tpu.core_type = #tpu.core_type<tc>, window_params = [{pipeline_mode = #tpu.pipeline_mode<synchronous>, transform_indices = @transform_0, window_bounds = array<i64: 2048, 256>}, {pipeline_mode = #tpu.pipeline_mode<synchronous>, transform_indices = @transform_1, window_bounds = array<i64: 2048, 256>}, {transform_indices = @transform_2, window_bounds = array<i64: 1, 1024, 256>}, {pipeline_mode = #tpu.pipeline_mode<synchronous>, transform_indices = @transform_3, window_bounds = array<i64: 2048, 1>}, {pipeline_mode = #tpu.pipeline_mode<synchronous>, transform_indices = @transform_4, window_bounds = array<i64: 2048, 1>}, {pipeline_mode = #tpu.pipeline_mode<synchronous>, transform_indices = @transform_5, window_bounds = array<i64: 2048, 256>}]} {
    %eq3A = arith.constant 0 : i32
    %eq3A_0 = arith.cmpi eq, %arg0, %eq3A : i32
    %convert_element_type3A = arith.extui %eq3A_0 : i1 to i32
    %cond3A = arith.constant 0 : i32
    %cond3A_1 = arith.cmpi ne, %convert_element_type3A, %cond3A : i32
    scf.if %cond3A_1 {
      %get3A_109 = arith.constant 0 : index
      %get3A_110 = arith.constant 0 : index
      %get3A_111 = vector.load %arg1[%get3A_109, %get3A_110] : memref<2048x256xf32, #tpu.memory_space<vmem>>, vector<2048x256xf32>
      %get3A_112 = arith.constant 0 : index
      %get3A_113 = arith.constant 0 : index
      %get3A_114 = vector.load %arg2[%get3A_112, %get3A_113] : memref<2048x256xf32, #tpu.memory_space<vmem>>, vector<2048x256xf32>
      %sub3A = arith.subf %get3A_111, %get3A_114 : vector<2048x256xf32>
      %swap3A_115 = arith.constant 0 : index
      %swap3A_116 = arith.constant 0 : index
      %swap3A_117 = vector.load %arg6[%swap3A_115, %swap3A_116] : memref<2048x256xf32, #tpu.memory_space<vmem>>, vector<2048x256xf32>
      tpu.vector_store %arg6[%swap3A_115, %swap3A_116], %sub3A {strides = array<i32>} : memref<2048x256xf32, #tpu.memory_space<vmem>>, vector<2048x256xf32>,
      %mul3A_118 = arith.constant -2.000000e+00 : f32
      %mul3A_119 = vector.broadcast %mul3A_118 : f32 to vector<2048x256xf32>
      %mul3A_120 = arith.mulf %mul3A_119, %sub3A : vector<2048x256xf32>
      %swap3A_121 = arith.constant 0 : index
      %swap3A_122 = arith.constant 0 : index
      %swap3A_123 = vector.load %arg7[%swap3A_121, %swap3A_122] : memref<2048x256xf32, #tpu.memory_space<vmem>>, vector<2048x256xf32>
      tpu.vector_store %arg7[%swap3A_121, %swap3A_122], %mul3A_120 {strides = array<i32>} : memref<2048x256xf32, #tpu.memory_space<vmem>>, vector<2048x256xf32>,
      %mul3A_124 = arith.mulf %sub3A, %sub3A : vector<2048x256xf32>
      %reduce_sum3A_125 = arith.constant dense<0.000000e+00> : vector<2048xf32>
      %reduce_sum3A_126 = vector.multi_reduction <add>, %mul3A_124, %reduce_sum3A_125 [1] : vector<2048x256xf32> to vector<2048xf32>
      %broadcast_in_dim3A_127 = vector.shape_cast %reduce_sum3A_126 : vector<2048xf32> to vector<2048x1xf32>
      %swap3A_128 = arith.constant 0 : index
      %swap3A_129 = arith.constant 0 : index
      %swap3A_130 = vector.load %arg8[%swap3A_128, %swap3A_129] : memref<2048x1xf32, #tpu.memory_space<vmem>>, vector<2048x1xf32>
      tpu.vector_store %arg8[%swap3A_128, %swap3A_129], %broadcast_in_dim3A_127 {strides = array<i32>} : memref<2048x1xf32, #tpu.memory_space<vmem>>, vector<2048x1xf32>,
      %broadcast_in_dim3A_131 = arith.constant 0x7F800000 : f32
      %broadcast_in_dim3A_132 = vector.broadcast %broadcast_in_dim3A_131 : f32 to vector<2048x128xf32>
      %swap3A_133 = arith.constant 0 : index
      %swap3A_134 = arith.constant 0 : index
      %swap3A_135 = vector.load %arg9[%swap3A_133, %swap3A_134] : memref<2048x128xf32, #tpu.memory_space<vmem>>, vector<2048x128xf32>
      tpu.vector_store %arg9[%swap3A_133, %swap3A_134], %broadcast_in_dim3A_132 {strides = array<i32>} : memref<2048x128xf32, #tpu.memory_space<vmem>>, vector<2048x128xf32>,
      %broadcast_in_dim3A_136 = arith.constant 0.000000e+00 : f32
      %broadcast_in_dim3A_137 = vector.broadcast %broadcast_in_dim3A_136 : f32 to vector<2048x128xf32>
      %swap3A_138 = arith.constant 0 : index
      %swap3A_139 = arith.constant 0 : index
      %swap3A_140 = vector.load %arg10[%swap3A_138, %swap3A_139] : memref<2048x128xf32, #tpu.memory_space<vmem>>, vector<2048x128xf32>
      tpu.vector_store %arg10[%swap3A_138, %swap3A_139], %broadcast_in_dim3A_137 {strides = array<i32>} : memref<2048x128xf32, #tpu.memory_space<vmem>>, vector<2048x128xf32>,
    } else {
    }
    %get3A = arith.constant 0 : index
    %get3A_2 = arith.constant 0 : index
    %get3A_3 = arith.constant 0 : index
    %get3A_4 = vector.load %arg3[%get3A, %get3A_2, %get3A_3] : memref<1x1024x256xf32, #tpu.memory_space<vmem>>, vector<1x1024x256xf32>
    %get3A_5 = vector.shape_cast %get3A_4 : vector<1x1024x256xf32> to vector<1024x256xf32>
    %mul3A = arith.mulf %get3A_5, %get3A_5 : vector<1024x256xf32>
    %reduce_sum3A = arith.constant dense<0.000000e+00> : vector<1024xf32>
    %reduce_sum3A_6 = vector.multi_reduction <add>, %mul3A, %reduce_sum3A [1] : vector<1024x256xf32> to vector<1024xf32>
    %get3A_7 = arith.constant 0 : index
    %get3A_8 = arith.constant 0 : index
    %get3A_9 = vector.load %arg7[%get3A_7, %get3A_8] : memref<2048x256xf32, #tpu.memory_space<vmem>>, vector<2048x256xf32>
    %dot_general3A = arith.constant dense<0.000000e+00> : vector<2048x1024xf32>
    %dot_general3A_10 = tpu.matmul %get3A_9, %get3A_5, %dot_general3A {dimension_numbers = #tpu.dot_dimension_numbers<[1], [1], [0], [0], [0, 0, 1, 0], [], []>, transpose_lhs_hint = false} : vector<2048x256xf32>, vector<1024x256xf32>, vector<2048x1024xf32> -> vector<2048x1024xf32>
    %get3A_11 = arith.constant 0 : index
    %get3A_12 = arith.constant 0 : index
    %get3A_13 = vector.load %arg8[%get3A_11, %get3A_12] : memref<2048x1xf32, #tpu.memory_space<vmem>>, vector<2048x1xf32>
    %add3A = vector.broadcast %get3A_13 : vector<2048x1xf32> to vector<2048x1024xf32>
    %add3A_14 = arith.addf %add3A, %dot_general3A_10 : vector<2048x1024xf32>
    %broadcast_in_dim3A = vector.shape_cast %reduce_sum3A_6 : vector<1024xf32> to vector<1x1024xf32>
    %add3A_15 = vector.broadcast %broadcast_in_dim3A : vector<1x1024xf32> to vector<2048x1024xf32>
    %add3A_16 = arith.addf %add3A_14, %add3A_15 : vector<2048x1024xf32>
    %get3A_17 = arith.constant 0 : index
    %get3A_18 = arith.constant 0 : index
    %get3A_19 = vector.load %arg9[%get3A_17, %get3A_18] : memref<2048x128xf32, #tpu.memory_space<vmem>>, vector<2048x128xf32>
    %get3A_20 = arith.constant 0 : index
    %get3A_21 = arith.constant 0 : index
    %get3A_22 = vector.load %arg10[%get3A_20, %get3A_21] : memref<2048x128xf32, #tpu.memory_space<vmem>>, vector<2048x128xf32>
    %slice3A = vector.extract_strided_slice %add3A_16 {offsets = [0, 0], sizes = [2048, 128], strides = [1, 1]} : vector<2048x1024xf32> to vector<2048x128xf32>
    %mul3A_23 = arith.constant 8 : i32
    %mul3A_24 = arith.muli %arg0, %mul3A_23 : i32
    %add3A_25 = arith.constant 0 : i32
    %add3A_26 = arith.addi %mul3A_24, %add3A_25 : i32
    %convert_element_type3A_27 = arith.sitofp %add3A_26 : i32 to f32
    %lt3A = arith.cmpf olt, %slice3A, %get3A_19 : vector<2048x128xf32>
    %broadcast_in_dim3A_28 = vector.broadcast %convert_element_type3A_27 : f32 to vector<2048x128xf32>
    %select_n3A = arith.select %lt3A, %broadcast_in_dim3A_28, %get3A_22 : vector<2048x128xi1>, vector<2048x128xf32>
    %min3A = arith.minimumf %slice3A, %get3A_19 : vector<2048x128xf32>
    %slice3A_29 = vector.extract_strided_slice %add3A_16 {offsets = [0, 128], sizes = [2048, 128], strides = [1, 1]} : vector<2048x1024xf32> to vector<2048x128xf32>
    %mul3A_30 = arith.constant 8 : i32
    %mul3A_31 = arith.muli %arg0, %mul3A_30 : i32
    %add3A_32 = arith.constant 1 : i32
    %add3A_33 = arith.addi %mul3A_31, %add3A_32 : i32
    %convert_element_type3A_34 = arith.sitofp %add3A_33 : i32 to f32
    %lt3A_35 = arith.cmpf olt, %slice3A_29, %min3A : vector<2048x128xf32>
    %broadcast_in_dim3A_36 = vector.broadcast %convert_element_type3A_34 : f32 to vector<2048x128xf32>
    %select_n3A_37 = arith.select %lt3A_35, %broadcast_in_dim3A_36, %select_n3A : vector<2048x128xi1>, vector<2048x128xf32>
    %min3A_38 = arith.minimumf %slice3A_29, %min3A : vector<2048x128xf32>
    %slice3A_39 = vector.extract_strided_slice %add3A_16 {offsets = [0, 256], sizes = [2048, 128], strides = [1, 1]} : vector<2048x1024xf32> to vector<2048x128xf32>
    %mul3A_40 = arith.constant 8 : i32
    %mul3A_41 = arith.muli %arg0, %mul3A_40 : i32
    %add3A_42 = arith.constant 2 : i32
    %add3A_43 = arith.addi %mul3A_41, %add3A_42 : i32
    %convert_element_type3A_44 = arith.sitofp %add3A_43 : i32 to f32
    %lt3A_45 = arith.cmpf olt, %slice3A_39, %min3A_38 : vector<2048x128xf32>
    %broadcast_in_dim3A_46 = vector.broadcast %convert_element_type3A_44 : f32 to vector<2048x128xf32>
    %select_n3A_47 = arith.select %lt3A_45, %broadcast_in_dim3A_46, %select_n3A_37 : vector<2048x128xi1>, vector<2048x128xf32>
    %min3A_48 = arith.minimumf %slice3A_39, %min3A_38 : vector<2048x128xf32>
    %slice3A_49 = vector.extract_strided_slice %add3A_16 {offsets = [0, 384], sizes = [2048, 128], strides = [1, 1]} : vector<2048x1024xf32> to vector<2048x128xf32>
    %mul3A_50 = arith.constant 8 : i32
    %mul3A_51 = arith.muli %arg0, %mul3A_50 : i32
    %add3A_52 = arith.constant 3 : i32
    %add3A_53 = arith.addi %mul3A_51, %add3A_52 : i32
    %convert_element_type3A_54 = arith.sitofp %add3A_53 : i32 to f32
    %lt3A_55 = arith.cmpf olt, %slice3A_49, %min3A_48 : vector<2048x128xf32>
    %broadcast_in_dim3A_56 = vector.broadcast %convert_element_type3A_54 : f32 to vector<2048x128xf32>
    %select_n3A_57 = arith.select %lt3A_55, %broadcast_in_dim3A_56, %select_n3A_47 : vector<2048x128xi1>, vector<2048x128xf32>
    %min3A_58 = arith.minimumf %slice3A_49, %min3A_48 : vector<2048x128xf32>
    %slice3A_59 = vector.extract_strided_slice %add3A_16 {offsets = [0, 512], sizes = [2048, 128], strides = [1, 1]} : vector<2048x1024xf32> to vector<2048x128xf32>
    %mul3A_60 = arith.constant 8 : i32
    %mul3A_61 = arith.muli %arg0, %mul3A_60 : i32
    %add3A_62 = arith.constant 4 : i32
    %add3A_63 = arith.addi %mul3A_61, %add3A_62 : i32
    %convert_element_type3A_64 = arith.sitofp %add3A_63 : i32 to f32
    %lt3A_65 = arith.cmpf olt, %slice3A_59, %min3A_58 : vector<2048x128xf32>
    %broadcast_in_dim3A_66 = vector.broadcast %convert_element_type3A_64 : f32 to vector<2048x128xf32>
    %select_n3A_67 = arith.select %lt3A_65, %broadcast_in_dim3A_66, %select_n3A_57 : vector<2048x128xi1>, vector<2048x128xf32>
    %min3A_68 = arith.minimumf %slice3A_59, %min3A_58 : vector<2048x128xf32>
    %slice3A_69 = vector.extract_strided_slice %add3A_16 {offsets = [0, 640], sizes = [2048, 128], strides = [1, 1]} : vector<2048x1024xf32> to vector<2048x128xf32>
    %mul3A_70 = arith.constant 8 : i32
    %mul3A_71 = arith.muli %arg0, %mul3A_70 : i32
    %add3A_72 = arith.constant 5 : i32
    %add3A_73 = arith.addi %mul3A_71, %add3A_72 : i32
    %convert_element_type3A_74 = arith.sitofp %add3A_73 : i32 to f32
    %lt3A_75 = arith.cmpf olt, %slice3A_69, %min3A_68 : vector<2048x128xf32>
    %broadcast_in_dim3A_76 = vector.broadcast %convert_element_type3A_74 : f32 to vector<2048x128xf32>
    %select_n3A_77 = arith.select %lt3A_75, %broadcast_in_dim3A_76, %select_n3A_67 : vector<2048x128xi1>, vector<2048x128xf32>
    %min3A_78 = arith.minimumf %slice3A_69, %min3A_68 : vector<2048x128xf32>
    %slice3A_79 = vector.extract_strided_slice %add3A_16 {offsets = [0, 768], sizes = [2048, 128], strides = [1, 1]} : vector<2048x1024xf32> to vector<2048x128xf32>
    %mul3A_80 = arith.constant 8 : i32
    %mul3A_81 = arith.muli %arg0, %mul3A_80 : i32
    %add3A_82 = arith.constant 6 : i32
    %add3A_83 = arith.addi %mul3A_81, %add3A_82 : i32
    %convert_element_type3A_84 = arith.sitofp %add3A_83 : i32 to f32
    %lt3A_85 = arith.cmpf olt, %slice3A_79, %min3A_78 : vector<2048x128xf32>
    %broadcast_in_dim3A_86 = vector.broadcast %convert_element_type3A_84 : f32 to vector<2048x128xf32>
    %select_n3A_87 = arith.select %lt3A_85, %broadcast_in_dim3A_86, %select_n3A_77 : vector<2048x128xi1>, vector<2048x128xf32>
    %min3A_88 = arith.minimumf %slice3A_79, %min3A_78 : vector<2048x128xf32>
    %slice3A_89 = vector.extract_strided_slice %add3A_16 {offsets = [0, 896], sizes = [2048, 128], strides = [1, 1]} : vector<2048x1024xf32> to vector<2048x128xf32>
    %mul3A_90 = arith.constant 8 : i32
    %mul3A_91 = arith.muli %arg0, %mul3A_90 : i32
    %add3A_92 = arith.constant 7 : i32
    %add3A_93 = arith.addi %mul3A_91, %add3A_92 : i32
    %convert_element_type3A_94 = arith.sitofp %add3A_93 : i32 to f32
    %lt3A_95 = arith.cmpf olt, %slice3A_89, %min3A_88 : vector<2048x128xf32>
    %broadcast_in_dim3A_96 = vector.broadcast %convert_element_type3A_94 : f32 to vector<2048x128xf32>
    %select_n3A_97 = arith.select %lt3A_95, %broadcast_in_dim3A_96, %select_n3A_87 : vector<2048x128xi1>, vector<2048x128xf32>
    %min3A_98 = arith.minimumf %slice3A_89, %min3A_88 : vector<2048x128xf32>
    %swap3A = arith.constant 0 : index
    %swap3A_99 = arith.constant 0 : index
    %swap3A_100 = vector.load %arg9[%swap3A, %swap3A_99] : memref<2048x128xf32, #tpu.memory_space<vmem>>, vector<2048x128xf32>
    tpu.vector_store %arg9[%swap3A, %swap3A_99], %min3A_98 {strides = array<i32>} : memref<2048x128xf32, #tpu.memory_space<vmem>>, vector<2048x128xf32>,
    %swap3A_101 = arith.constant 0 : index
    %swap3A_102 = arith.constant 0 : index
    %swap3A_103 = vector.load %arg10[%swap3A_101, %swap3A_102] : memref<2048x128xf32, #tpu.memory_space<vmem>>, vector<2048x128xf32>
    tpu.vector_store %arg10[%swap3A_101, %swap3A_102], %select_n3A_97 {strides = array<i32>} : memref<2048x128xf32, #tpu.memory_space<vmem>>, vector<2048x128xf32>,
    %eq3A_104 = arith.constant 7 : i32
    %eq3A_105 = arith.cmpi eq, %arg0, %eq3A_104 : i32
    %convert_element_type3A_106 = arith.extui %eq3A_105 : i1 to i32
    %cond3A_107 = arith.constant 0 : i32
    %cond3A_108 = arith.cmpi ne, %convert_element_type3A_106, %cond3A_107 : i32
    scf.if %cond3A_108 {
      %get3A_109 = arith.constant 0 : index
      %get3A_110 = arith.constant 0 : index
      %get3A_111 = vector.load %arg9[%get3A_109, %get3A_110] : memref<2048x128xf32, #tpu.memory_space<vmem>>, vector<2048x128xf32>
      %get3A_112 = arith.constant 0 : index
      %get3A_113 = arith.constant 0 : index
      %get3A_114 = vector.load %arg10[%get3A_112, %get3A_113] : memref<2048x128xf32, #tpu.memory_space<vmem>>, vector<2048x128xf32>
      %reduce_min3A = arith.constant dense<0x7F800000> : vector<2048xf32>
      %reduce_min3A_115 = vector.multi_reduction <minimumf>, %get3A_111, %reduce_min3A [1] : vector<2048x128xf32> to vector<2048xf32>
      %broadcast_in_dim3A_116 = vector.shape_cast %reduce_min3A_115 : vector<2048xf32> to vector<2048x1xf32>
      %iota3A = tpu.iota {dimensions = array<i32: 1>} : vector<2048x128xi32>
      %convert_element_type3A_117 = arith.sitofp %iota3A : vector<2048x128xi32> to vector<2048x128xf32>
      %eq3A_118 = vector.broadcast %broadcast_in_dim3A_116 : vector<2048x1xf32> to vector<2048x128xf32>
      %eq3A_119 = arith.cmpf oeq, %get3A_111, %eq3A_118 : vector<2048x128xf32>
      %mul3A_120 = arith.constant 1.280000e+02 : f32
      %mul3A_121 = vector.broadcast %mul3A_120 : f32 to vector<2048x128xf32>
      %mul3A_122 = arith.mulf %get3A_114, %mul3A_121 : vector<2048x128xf32>
      %add3A_123 = arith.addf %mul3A_122, %convert_element_type3A_117 : vector<2048x128xf32>
      %jit3A = arith.constant 1.638400e+04 : f32
      %broadcast_in_dim3A_124 = vector.broadcast %jit3A : f32 to vector<2048x128xf32>
      %select_n3A_125 = arith.select %eq3A_119, %add3A_123, %broadcast_in_dim3A_124 : vector<2048x128xi1>, vector<2048x128xf32>
      %reduce_min3A_126 = arith.constant dense<0x7F800000> : vector<2048xf32>
      %reduce_min3A_127 = vector.multi_reduction <minimumf>, %select_n3A_125, %reduce_min3A_126 [1] : vector<2048x128xf32> to vector<2048xf32>
      %broadcast_in_dim3A_128 = vector.shape_cast %reduce_min3A_127 : vector<2048xf32> to vector<2048x1xf32>
      %swap3A_129 = arith.constant 0 : index
      %swap3A_130 = arith.constant 0 : index
      %swap3A_131 = vector.load %arg4[%swap3A_129, %swap3A_130] : memref<2048x1xf32, #tpu.memory_space<vmem>>, vector<2048x1xf32>
      tpu.vector_store %arg4[%swap3A_129, %swap3A_130], %broadcast_in_dim3A_128 {strides = array<i32>} : memref<2048x1xf32, #tpu.memory_space<vmem>>, vector<2048x1xf32>,
      %convert_element_type3A_132 = arith.fptosi %broadcast_in_dim3A_128 : vector<2048x1xf32> to vector<2048x1xi32>
      %add3A_133 = arith.constant 8192 : i32
      %add3A_134 = vector.broadcast %add3A_133 : i32 to vector<2048x1xi32>
      %add3A_135 = arith.addi %convert_element_type3A_132, %add3A_134 : vector<2048x1xi32>
      %swap3A_136 = arith.constant 0 : index
      %swap3A_137 = arith.constant 0 : index
      %swap3A_138 = vector.load %arg5[%swap3A_136, %swap3A_137] : memref<2048x1xi32, #tpu.memory_space<vmem>>, vector<2048x1xi32>
      tpu.vector_store %arg5[%swap3A_136, %swap3A_137], %add3A_135 {strides = array<i32>} : memref<2048x1xi32, #tpu.memory_space<vmem>>, vector<2048x1xi32>,
    } else {
    }
    return
  }
  func.func @transform_0(%arg0: i32) -> (i32, i32) {
    %c0_i32 = arith.constant 0 : i32
    %c0_i32_0 = arith.constant 0 : i32
    %c0_i32_1 = arith.constant 0 : i32
    return %c0_i32, %c0_i32_0 : i32, i32
  }
  func.func @transform_1(%arg0: i32) -> (i32, i32) {
    %c0_i32 = arith.constant 0 : i32
    %c0_i32_0 = arith.constant 0 : i32
    %c0_i32_1 = arith.constant 0 : i32
    return %c0_i32, %c0_i32_0 : i32, i32
  }
  func.func @transform_2(%arg0: i32) -> (i32, i32, i32) {
    %c1_i32 = arith.constant 1 : i32
    %c0_i32 = arith.constant 0 : i32
    %c0_i32_0 = arith.constant 0 : i32
    return %c1_i32, %arg0, %c0_i32 : i32, i32, i32
  }
  func.func @transform_3(%arg0: i32) -> (i32, i32) {
    %c0_i32 = arith.constant 0 : i32
    %c0_i32_0 = arith.constant 0 : i32
    %c0_i32_1 = arith.constant 0 : i32
    return %c0_i32, %c0_i32_0 : i32, i32
  }
  func.func @transform_4(%arg0: i32) -> (i32, i32) {
    %c0_i32 = arith.constant 0 : i32
    %c0_i32_0 = arith.constant 0 : i32
    %c0_i32_1 = arith.constant 0 : i32
    return %c0_i32, %c0_i32_0 : i32, i32
  }
  func.func @transform_5(%arg0: i32) -> (i32, i32) {
    %c0_i32 = arith.constant 0 : i32
    %c0_i32_0 = arith.constant 0 : i32
    %c0_i32_1 = arith.constant 0 : i32
    return %c0_i32, %c0_i32_0 : i32, i32
  }
}

module attributes {stable_mosaic.version = 14 : i64} {
  func.func @_next_body(%arg0: i32, %arg1: memref<2048x256xf32, #tpu.memory_space<vmem>>, %arg2: memref<2048x256xf32, #tpu.memory_space<vmem>>, %arg3: memref<1x1024x256xf32, #tpu.memory_space<vmem>>, %arg4: memref<2048x1xf32, #tpu.memory_space<vmem>>, %arg5: memref<2048x1xi32, #tpu.memory_space<vmem>>, %arg6: memref<2048x256xf32, #tpu.memory_space<vmem>>, %arg7: memref<2048x256xf32, #tpu.memory_space<vmem>>, %arg8: memref<2048x1xf32, #tpu.memory_space<vmem>>, %arg9: memref<2048x128xf32, #tpu.memory_space<vmem>>, %arg10: memref<2048x128xf32, #tpu.memory_space<vmem>>) attributes {dimension_semantics = [#tpu.dimension_semantics<arbitrary>], iteration_bounds = array<i64: 8>, scalar_prefetch = 0 : i64, scratch_operands = 4 : i64, tpu.core_type = #tpu.core_type<tc>, window_params = [{pipeline_mode = #tpu.pipeline_mode<synchronous>, transform_indices = @transform_0, window_bounds = array<i64: 2048, 256>}, {pipeline_mode = #tpu.pipeline_mode<synchronous>, transform_indices = @transform_1, window_bounds = array<i64: 2048, 256>}, {transform_indices = @transform_2, window_bounds = array<i64: 1, 1024, 256>}, {pipeline_mode = #tpu.pipeline_mode<synchronous>, transform_indices = @transform_3, window_bounds = array<i64: 2048, 1>}, {pipeline_mode = #tpu.pipeline_mode<synchronous>, transform_indices = @transform_4, window_bounds = array<i64: 2048, 1>}, {pipeline_mode = #tpu.pipeline_mode<synchronous>, transform_indices = @transform_5, window_bounds = array<i64: 2048, 256>}]} {
    %eq3A = arith.constant 0 : i32
    %eq3A_0 = arith.cmpi eq, %arg0, %eq3A : i32
    %convert_element_type3A = arith.extui %eq3A_0 : i1 to i32
    %cond3A = arith.constant 0 : i32
    %cond3A_1 = arith.cmpi ne, %convert_element_type3A, %cond3A : i32
    scf.if %cond3A_1 {
      %get3A_109 = arith.constant 0 : index
      %get3A_110 = arith.constant 0 : index
      %get3A_111 = vector.load %arg1[%get3A_109, %get3A_110] : memref<2048x256xf32, #tpu.memory_space<vmem>>, vector<2048x256xf32>
      %get3A_112 = arith.constant 0 : index
      %get3A_113 = arith.constant 0 : index
      %get3A_114 = vector.load %arg2[%get3A_112, %get3A_113] : memref<2048x256xf32, #tpu.memory_space<vmem>>, vector<2048x256xf32>
      %sub3A = arith.subf %get3A_111, %get3A_114 : vector<2048x256xf32>
      %swap3A_115 = arith.constant 0 : index
      %swap3A_116 = arith.constant 0 : index
      %swap3A_117 = vector.load %arg6[%swap3A_115, %swap3A_116] : memref<2048x256xf32, #tpu.memory_space<vmem>>, vector<2048x256xf32>
      tpu.vector_store %arg6[%swap3A_115, %swap3A_116], %sub3A {strides = array<i32>} : memref<2048x256xf32, #tpu.memory_space<vmem>>, vector<2048x256xf32>,
      %mul3A_118 = arith.constant -2.000000e+00 : f32
      %mul3A_119 = vector.broadcast %mul3A_118 : f32 to vector<2048x256xf32>
      %mul3A_120 = arith.mulf %mul3A_119, %sub3A : vector<2048x256xf32>
      %swap3A_121 = arith.constant 0 : index
      %swap3A_122 = arith.constant 0 : index
      %swap3A_123 = vector.load %arg7[%swap3A_121, %swap3A_122] : memref<2048x256xf32, #tpu.memory_space<vmem>>, vector<2048x256xf32>
      tpu.vector_store %arg7[%swap3A_121, %swap3A_122], %mul3A_120 {strides = array<i32>} : memref<2048x256xf32, #tpu.memory_space<vmem>>, vector<2048x256xf32>,
      %mul3A_124 = arith.mulf %sub3A, %sub3A : vector<2048x256xf32>
      %reduce_sum3A_125 = arith.constant dense<0.000000e+00> : vector<2048xf32>
      %reduce_sum3A_126 = vector.multi_reduction <add>, %mul3A_124, %reduce_sum3A_125 [1] : vector<2048x256xf32> to vector<2048xf32>
      %broadcast_in_dim3A_127 = vector.shape_cast %reduce_sum3A_126 : vector<2048xf32> to vector<2048x1xf32>
      %swap3A_128 = arith.constant 0 : index
      %swap3A_129 = arith.constant 0 : index
      %swap3A_130 = vector.load %arg8[%swap3A_128, %swap3A_129] : memref<2048x1xf32, #tpu.memory_space<vmem>>, vector<2048x1xf32>
      tpu.vector_store %arg8[%swap3A_128, %swap3A_129], %broadcast_in_dim3A_127 {strides = array<i32>} : memref<2048x1xf32, #tpu.memory_space<vmem>>, vector<2048x1xf32>,
      %broadcast_in_dim3A_131 = arith.constant 0x7F800000 : f32
      %broadcast_in_dim3A_132 = vector.broadcast %broadcast_in_dim3A_131 : f32 to vector<2048x128xf32>
      %swap3A_133 = arith.constant 0 : index
      %swap3A_134 = arith.constant 0 : index
      %swap3A_135 = vector.load %arg9[%swap3A_133, %swap3A_134] : memref<2048x128xf32, #tpu.memory_space<vmem>>, vector<2048x128xf32>
      tpu.vector_store %arg9[%swap3A_133, %swap3A_134], %broadcast_in_dim3A_132 {strides = array<i32>} : memref<2048x128xf32, #tpu.memory_space<vmem>>, vector<2048x128xf32>,
      %broadcast_in_dim3A_136 = arith.constant 0.000000e+00 : f32
      %broadcast_in_dim3A_137 = vector.broadcast %broadcast_in_dim3A_136 : f32 to vector<2048x128xf32>
      %swap3A_138 = arith.constant 0 : index
      %swap3A_139 = arith.constant 0 : index
      %swap3A_140 = vector.load %arg10[%swap3A_138, %swap3A_139] : memref<2048x128xf32, #tpu.memory_space<vmem>>, vector<2048x128xf32>
      tpu.vector_store %arg10[%swap3A_138, %swap3A_139], %broadcast_in_dim3A_137 {strides = array<i32>} : memref<2048x128xf32, #tpu.memory_space<vmem>>, vector<2048x128xf32>,
    } else {
    }
    %get3A = arith.constant 0 : index
    %get3A_2 = arith.constant 0 : index
    %get3A_3 = arith.constant 0 : index
    %get3A_4 = vector.load %arg3[%get3A, %get3A_2, %get3A_3] : memref<1x1024x256xf32, #tpu.memory_space<vmem>>, vector<1x1024x256xf32>
    %get3A_5 = vector.shape_cast %get3A_4 : vector<1x1024x256xf32> to vector<1024x256xf32>
    %mul3A = arith.mulf %get3A_5, %get3A_5 : vector<1024x256xf32>
    %reduce_sum3A = arith.constant dense<0.000000e+00> : vector<1024xf32>
    %reduce_sum3A_6 = vector.multi_reduction <add>, %mul3A, %reduce_sum3A [1] : vector<1024x256xf32> to vector<1024xf32>
    %get3A_7 = arith.constant 0 : index
    %get3A_8 = arith.constant 0 : index
    %get3A_9 = vector.load %arg7[%get3A_7, %get3A_8] : memref<2048x256xf32, #tpu.memory_space<vmem>>, vector<2048x256xf32>
    %dot_general3A = arith.constant dense<0.000000e+00> : vector<2048x1024xf32>
    %dot_general3A_10 = tpu.matmul %get3A_9, %get3A_5, %dot_general3A {dimension_numbers = #tpu.dot_dimension_numbers<[1], [1], [0], [0], [0, 0, 1, 0], [], []>, transpose_lhs_hint = false} : vector<2048x256xf32>, vector<1024x256xf32>, vector<2048x1024xf32> -> vector<2048x1024xf32>
    %get3A_11 = arith.constant 0 : index
    %get3A_12 = arith.constant 0 : index
    %get3A_13 = vector.load %arg8[%get3A_11, %get3A_12] : memref<2048x1xf32, #tpu.memory_space<vmem>>, vector<2048x1xf32>
    %add3A = vector.broadcast %get3A_13 : vector<2048x1xf32> to vector<2048x1024xf32>
    %add3A_14 = arith.addf %add3A, %dot_general3A_10 : vector<2048x1024xf32>
    %broadcast_in_dim3A = vector.shape_cast %reduce_sum3A_6 : vector<1024xf32> to vector<1x1024xf32>
    %add3A_15 = vector.broadcast %broadcast_in_dim3A : vector<1x1024xf32> to vector<2048x1024xf32>
    %add3A_16 = arith.addf %add3A_14, %add3A_15 : vector<2048x1024xf32>
    %get3A_17 = arith.constant 0 : index
    %get3A_18 = arith.constant 0 : index
    %get3A_19 = vector.load %arg9[%get3A_17, %get3A_18] : memref<2048x128xf32, #tpu.memory_space<vmem>>, vector<2048x128xf32>
    %get3A_20 = arith.constant 0 : index
    %get3A_21 = arith.constant 0 : index
    %get3A_22 = vector.load %arg10[%get3A_20, %get3A_21] : memref<2048x128xf32, #tpu.memory_space<vmem>>, vector<2048x128xf32>
    %slice3A = vector.extract_strided_slice %add3A_16 {offsets = [0, 0], sizes = [2048, 128], strides = [1, 1]} : vector<2048x1024xf32> to vector<2048x128xf32>
    %mul3A_23 = arith.constant 8 : i32
    %mul3A_24 = arith.muli %arg0, %mul3A_23 : i32
    %add3A_25 = arith.constant 0 : i32
    %add3A_26 = arith.addi %mul3A_24, %add3A_25 : i32
    %convert_element_type3A_27 = arith.sitofp %add3A_26 : i32 to f32
    %lt3A = arith.cmpf olt, %slice3A, %get3A_19 : vector<2048x128xf32>
    %broadcast_in_dim3A_28 = vector.broadcast %convert_element_type3A_27 : f32 to vector<2048x128xf32>
    %select_n3A = arith.select %lt3A, %broadcast_in_dim3A_28, %get3A_22 : vector<2048x128xi1>, vector<2048x128xf32>
    %min3A = arith.minimumf %slice3A, %get3A_19 : vector<2048x128xf32>
    %slice3A_29 = vector.extract_strided_slice %add3A_16 {offsets = [0, 128], sizes = [2048, 128], strides = [1, 1]} : vector<2048x1024xf32> to vector<2048x128xf32>
    %mul3A_30 = arith.constant 8 : i32
    %mul3A_31 = arith.muli %arg0, %mul3A_30 : i32
    %add3A_32 = arith.constant 1 : i32
    %add3A_33 = arith.addi %mul3A_31, %add3A_32 : i32
    %convert_element_type3A_34 = arith.sitofp %add3A_33 : i32 to f32
    %lt3A_35 = arith.cmpf olt, %slice3A_29, %min3A : vector<2048x128xf32>
    %broadcast_in_dim3A_36 = vector.broadcast %convert_element_type3A_34 : f32 to vector<2048x128xf32>
    %select_n3A_37 = arith.select %lt3A_35, %broadcast_in_dim3A_36, %select_n3A : vector<2048x128xi1>, vector<2048x128xf32>
    %min3A_38 = arith.minimumf %slice3A_29, %min3A : vector<2048x128xf32>
    %slice3A_39 = vector.extract_strided_slice %add3A_16 {offsets = [0, 256], sizes = [2048, 128], strides = [1, 1]} : vector<2048x1024xf32> to vector<2048x128xf32>
    %mul3A_40 = arith.constant 8 : i32
    %mul3A_41 = arith.muli %arg0, %mul3A_40 : i32
    %add3A_42 = arith.constant 2 : i32
    %add3A_43 = arith.addi %mul3A_41, %add3A_42 : i32
    %convert_element_type3A_44 = arith.sitofp %add3A_43 : i32 to f32
    %lt3A_45 = arith.cmpf olt, %slice3A_39, %min3A_38 : vector<2048x128xf32>
    %broadcast_in_dim3A_46 = vector.broadcast %convert_element_type3A_44 : f32 to vector<2048x128xf32>
    %select_n3A_47 = arith.select %lt3A_45, %broadcast_in_dim3A_46, %select_n3A_37 : vector<2048x128xi1>, vector<2048x128xf32>
    %min3A_48 = arith.minimumf %slice3A_39, %min3A_38 : vector<2048x128xf32>
    %slice3A_49 = vector.extract_strided_slice %add3A_16 {offsets = [0, 384], sizes = [2048, 128], strides = [1, 1]} : vector<2048x1024xf32> to vector<2048x128xf32>
    %mul3A_50 = arith.constant 8 : i32
    %mul3A_51 = arith.muli %arg0, %mul3A_50 : i32
    %add3A_52 = arith.constant 3 : i32
    %add3A_53 = arith.addi %mul3A_51, %add3A_52 : i32
    %convert_element_type3A_54 = arith.sitofp %add3A_53 : i32 to f32
    %lt3A_55 = arith.cmpf olt, %slice3A_49, %min3A_48 : vector<2048x128xf32>
    %broadcast_in_dim3A_56 = vector.broadcast %convert_element_type3A_54 : f32 to vector<2048x128xf32>
    %select_n3A_57 = arith.select %lt3A_55, %broadcast_in_dim3A_56, %select_n3A_47 : vector<2048x128xi1>, vector<2048x128xf32>
    %min3A_58 = arith.minimumf %slice3A_49, %min3A_48 : vector<2048x128xf32>
    %slice3A_59 = vector.extract_strided_slice %add3A_16 {offsets = [0, 512], sizes = [2048, 128], strides = [1, 1]} : vector<2048x1024xf32> to vector<2048x128xf32>
    %mul3A_60 = arith.constant 8 : i32
    %mul3A_61 = arith.muli %arg0, %mul3A_60 : i32
    %add3A_62 = arith.constant 4 : i32
    %add3A_63 = arith.addi %mul3A_61, %add3A_62 : i32
    %convert_element_type3A_64 = arith.sitofp %add3A_63 : i32 to f32
    %lt3A_65 = arith.cmpf olt, %slice3A_59, %min3A_58 : vector<2048x128xf32>
    %broadcast_in_dim3A_66 = vector.broadcast %convert_element_type3A_64 : f32 to vector<2048x128xf32>
    %select_n3A_67 = arith.select %lt3A_65, %broadcast_in_dim3A_66, %select_n3A_57 : vector<2048x128xi1>, vector<2048x128xf32>
    %min3A_68 = arith.minimumf %slice3A_59, %min3A_58 : vector<2048x128xf32>
    %slice3A_69 = vector.extract_strided_slice %add3A_16 {offsets = [0, 640], sizes = [2048, 128], strides = [1, 1]} : vector<2048x1024xf32> to vector<2048x128xf32>
    %mul3A_70 = arith.constant 8 : i32
    %mul3A_71 = arith.muli %arg0, %mul3A_70 : i32
    %add3A_72 = arith.constant 5 : i32
    %add3A_73 = arith.addi %mul3A_71, %add3A_72 : i32
    %convert_element_type3A_74 = arith.sitofp %add3A_73 : i32 to f32
    %lt3A_75 = arith.cmpf olt, %slice3A_69, %min3A_68 : vector<2048x128xf32>
    %broadcast_in_dim3A_76 = vector.broadcast %convert_element_type3A_74 : f32 to vector<2048x128xf32>
    %select_n3A_77 = arith.select %lt3A_75, %broadcast_in_dim3A_76, %select_n3A_67 : vector<2048x128xi1>, vector<2048x128xf32>
    %min3A_78 = arith.minimumf %slice3A_69, %min3A_68 : vector<2048x128xf32>
    %slice3A_79 = vector.extract_strided_slice %add3A_16 {offsets = [0, 768], sizes = [2048, 128], strides = [1, 1]} : vector<2048x1024xf32> to vector<2048x128xf32>
    %mul3A_80 = arith.constant 8 : i32
    %mul3A_81 = arith.muli %arg0, %mul3A_80 : i32
    %add3A_82 = arith.constant 6 : i32
    %add3A_83 = arith.addi %mul3A_81, %add3A_82 : i32
    %convert_element_type3A_84 = arith.sitofp %add3A_83 : i32 to f32
    %lt3A_85 = arith.cmpf olt, %slice3A_79, %min3A_78 : vector<2048x128xf32>
    %broadcast_in_dim3A_86 = vector.broadcast %convert_element_type3A_84 : f32 to vector<2048x128xf32>
    %select_n3A_87 = arith.select %lt3A_85, %broadcast_in_dim3A_86, %select_n3A_77 : vector<2048x128xi1>, vector<2048x128xf32>
    %min3A_88 = arith.minimumf %slice3A_79, %min3A_78 : vector<2048x128xf32>
    %slice3A_89 = vector.extract_strided_slice %add3A_16 {offsets = [0, 896], sizes = [2048, 128], strides = [1, 1]} : vector<2048x1024xf32> to vector<2048x128xf32>
    %mul3A_90 = arith.constant 8 : i32
    %mul3A_91 = arith.muli %arg0, %mul3A_90 : i32
    %add3A_92 = arith.constant 7 : i32
    %add3A_93 = arith.addi %mul3A_91, %add3A_92 : i32
    %convert_element_type3A_94 = arith.sitofp %add3A_93 : i32 to f32
    %lt3A_95 = arith.cmpf olt, %slice3A_89, %min3A_88 : vector<2048x128xf32>
    %broadcast_in_dim3A_96 = vector.broadcast %convert_element_type3A_94 : f32 to vector<2048x128xf32>
    %select_n3A_97 = arith.select %lt3A_95, %broadcast_in_dim3A_96, %select_n3A_87 : vector<2048x128xi1>, vector<2048x128xf32>
    %min3A_98 = arith.minimumf %slice3A_89, %min3A_88 : vector<2048x128xf32>
    %swap3A = arith.constant 0 : index
    %swap3A_99 = arith.constant 0 : index
    %swap3A_100 = vector.load %arg9[%swap3A, %swap3A_99] : memref<2048x128xf32, #tpu.memory_space<vmem>>, vector<2048x128xf32>
    tpu.vector_store %arg9[%swap3A, %swap3A_99], %min3A_98 {strides = array<i32>} : memref<2048x128xf32, #tpu.memory_space<vmem>>, vector<2048x128xf32>,
    %swap3A_101 = arith.constant 0 : index
    %swap3A_102 = arith.constant 0 : index
    %swap3A_103 = vector.load %arg10[%swap3A_101, %swap3A_102] : memref<2048x128xf32, #tpu.memory_space<vmem>>, vector<2048x128xf32>
    tpu.vector_store %arg10[%swap3A_101, %swap3A_102], %select_n3A_97 {strides = array<i32>} : memref<2048x128xf32, #tpu.memory_space<vmem>>, vector<2048x128xf32>,
    %eq3A_104 = arith.constant 7 : i32
    %eq3A_105 = arith.cmpi eq, %arg0, %eq3A_104 : i32
    %convert_element_type3A_106 = arith.extui %eq3A_105 : i1 to i32
    %cond3A_107 = arith.constant 0 : i32
    %cond3A_108 = arith.cmpi ne, %convert_element_type3A_106, %cond3A_107 : i32
    scf.if %cond3A_108 {
      %get3A_109 = arith.constant 0 : index
      %get3A_110 = arith.constant 0 : index
      %get3A_111 = vector.load %arg9[%get3A_109, %get3A_110] : memref<2048x128xf32, #tpu.memory_space<vmem>>, vector<2048x128xf32>
      %get3A_112 = arith.constant 0 : index
      %get3A_113 = arith.constant 0 : index
      %get3A_114 = vector.load %arg10[%get3A_112, %get3A_113] : memref<2048x128xf32, #tpu.memory_space<vmem>>, vector<2048x128xf32>
      %reduce_min3A = arith.constant dense<0x7F800000> : vector<2048xf32>
      %reduce_min3A_115 = vector.multi_reduction <minimumf>, %get3A_111, %reduce_min3A [1] : vector<2048x128xf32> to vector<2048xf32>
      %broadcast_in_dim3A_116 = vector.shape_cast %reduce_min3A_115 : vector<2048xf32> to vector<2048x1xf32>
      %iota3A = tpu.iota {dimensions = array<i32: 1>} : vector<2048x128xi32>
      %convert_element_type3A_117 = arith.sitofp %iota3A : vector<2048x128xi32> to vector<2048x128xf32>
      %eq3A_118 = vector.broadcast %broadcast_in_dim3A_116 : vector<2048x1xf32> to vector<2048x128xf32>
      %eq3A_119 = arith.cmpf oeq, %get3A_111, %eq3A_118 : vector<2048x128xf32>
      %mul3A_120 = arith.constant 1.280000e+02 : f32
      %mul3A_121 = vector.broadcast %mul3A_120 : f32 to vector<2048x128xf32>
      %mul3A_122 = arith.mulf %get3A_114, %mul3A_121 : vector<2048x128xf32>
      %add3A_123 = arith.addf %mul3A_122, %convert_element_type3A_117 : vector<2048x128xf32>
      %jit3A = arith.constant 1.638400e+04 : f32
      %broadcast_in_dim3A_124 = vector.broadcast %jit3A : f32 to vector<2048x128xf32>
      %select_n3A_125 = arith.select %eq3A_119, %add3A_123, %broadcast_in_dim3A_124 : vector<2048x128xi1>, vector<2048x128xf32>
      %reduce_min3A_126 = arith.constant dense<0x7F800000> : vector<2048xf32>
      %reduce_min3A_127 = vector.multi_reduction <minimumf>, %select_n3A_125, %reduce_min3A_126 [1] : vector<2048x128xf32> to vector<2048xf32>
      %broadcast_in_dim3A_128 = vector.shape_cast %reduce_min3A_127 : vector<2048xf32> to vector<2048x1xf32>
      %swap3A_129 = arith.constant 0 : index
      %swap3A_130 = arith.constant 0 : index
      %swap3A_131 = vector.load %arg4[%swap3A_129, %swap3A_130] : memref<2048x1xf32, #tpu.memory_space<vmem>>, vector<2048x1xf32>
      tpu.vector_store %arg4[%swap3A_129, %swap3A_130], %broadcast_in_dim3A_128 {strides = array<i32>} : memref<2048x1xf32, #tpu.memory_space<vmem>>, vector<2048x1xf32>,
      %convert_element_type3A_132 = arith.fptosi %broadcast_in_dim3A_128 : vector<2048x1xf32> to vector<2048x1xi32>
      %add3A_133 = arith.constant 16384 : i32
      %add3A_134 = vector.broadcast %add3A_133 : i32 to vector<2048x1xi32>
      %add3A_135 = arith.addi %convert_element_type3A_132, %add3A_134 : vector<2048x1xi32>
      %swap3A_136 = arith.constant 0 : index
      %swap3A_137 = arith.constant 0 : index
      %swap3A_138 = vector.load %arg5[%swap3A_136, %swap3A_137] : memref<2048x1xi32, #tpu.memory_space<vmem>>, vector<2048x1xi32>
      tpu.vector_store %arg5[%swap3A_136, %swap3A_137], %add3A_135 {strides = array<i32>} : memref<2048x1xi32, #tpu.memory_space<vmem>>, vector<2048x1xi32>,
    } else {
    }
    return
  }
  func.func @transform_0(%arg0: i32) -> (i32, i32) {
    %c0_i32 = arith.constant 0 : i32
    %c0_i32_0 = arith.constant 0 : i32
    %c0_i32_1 = arith.constant 0 : i32
    return %c0_i32, %c0_i32_0 : i32, i32
  }
  func.func @transform_1(%arg0: i32) -> (i32, i32) {
    %c0_i32 = arith.constant 0 : i32
    %c0_i32_0 = arith.constant 0 : i32
    %c0_i32_1 = arith.constant 0 : i32
    return %c0_i32, %c0_i32_0 : i32, i32
  }
  func.func @transform_2(%arg0: i32) -> (i32, i32, i32) {
    %c2_i32 = arith.constant 2 : i32
    %c0_i32 = arith.constant 0 : i32
    %c0_i32_0 = arith.constant 0 : i32
    return %c2_i32, %arg0, %c0_i32 : i32, i32, i32
  }
  func.func @transform_3(%arg0: i32) -> (i32, i32) {
    %c0_i32 = arith.constant 0 : i32
    %c0_i32_0 = arith.constant 0 : i32
    %c0_i32_1 = arith.constant 0 : i32
    return %c0_i32, %c0_i32_0 : i32, i32
  }
  func.func @transform_4(%arg0: i32) -> (i32, i32) {
    %c0_i32 = arith.constant 0 : i32
    %c0_i32_0 = arith.constant 0 : i32
    %c0_i32_1 = arith.constant 0 : i32
    return %c0_i32, %c0_i32_0 : i32, i32
  }
  func.func @transform_5(%arg0: i32) -> (i32, i32) {
    %c0_i32 = arith.constant 0 : i32
    %c0_i32_0 = arith.constant 0 : i32
    %c0_i32_1 = arith.constant 0 : i32
    return %c0_i32, %c0_i32_0 : i32, i32
  }
}

module attributes {stable_mosaic.version = 14 : i64} {
  func.func @_last_body(%arg0: i32, %arg1: memref<2048x256xf32, #tpu.memory_space<vmem>>, %arg2: memref<2048x256xf32, #tpu.memory_space<vmem>>, %arg3: memref<1x1024x256xf32, #tpu.memory_space<vmem>>, %arg4: memref<2048x1xf32, #tpu.memory_space<vmem>>, %arg5: memref<2048x256xf32, #tpu.memory_space<vmem>>, %arg6: memref<2048x1xf32, #tpu.memory_space<vmem>>, %arg7: memref<2048x128xf32, #tpu.memory_space<vmem>>, %arg8: memref<2048x128xf32, #tpu.memory_space<vmem>>) attributes {dimension_semantics = [#tpu.dimension_semantics<arbitrary>], iteration_bounds = array<i64: 8>, scalar_prefetch = 0 : i64, scratch_operands = 4 : i64, tpu.core_type = #tpu.core_type<tc>, window_params = [{pipeline_mode = #tpu.pipeline_mode<synchronous>, transform_indices = @transform_0, window_bounds = array<i64: 2048, 256>}, {pipeline_mode = #tpu.pipeline_mode<synchronous>, transform_indices = @transform_1, window_bounds = array<i64: 2048, 256>}, {transform_indices = @transform_2, window_bounds = array<i64: 1, 1024, 256>}, {pipeline_mode = #tpu.pipeline_mode<synchronous>, transform_indices = @transform_3, window_bounds = array<i64: 2048, 1>}]} {
    %eq3A = arith.constant 0 : i32
    %eq3A_0 = arith.cmpi eq, %arg0, %eq3A : i32
    %convert_element_type3A = arith.extui %eq3A_0 : i1 to i32
    %cond3A = arith.constant 0 : i32
    %cond3A_1 = arith.cmpi ne, %convert_element_type3A, %cond3A : i32
    scf.if %cond3A_1 {
      %get3A_109 = arith.constant 0 : index
      %get3A_110 = arith.constant 0 : index
      %get3A_111 = vector.load %arg1[%get3A_109, %get3A_110] : memref<2048x256xf32, #tpu.memory_space<vmem>>, vector<2048x256xf32>
      %get3A_112 = arith.constant 0 : index
      %get3A_113 = arith.constant 0 : index
      %get3A_114 = vector.load %arg2[%get3A_112, %get3A_113] : memref<2048x256xf32, #tpu.memory_space<vmem>>, vector<2048x256xf32>
      %sub3A = arith.subf %get3A_111, %get3A_114 : vector<2048x256xf32>
      %mul3A_115 = arith.constant -2.000000e+00 : f32
      %mul3A_116 = vector.broadcast %mul3A_115 : f32 to vector<2048x256xf32>
      %mul3A_117 = arith.mulf %mul3A_116, %sub3A : vector<2048x256xf32>
      %swap3A_118 = arith.constant 0 : index
      %swap3A_119 = arith.constant 0 : index
      %swap3A_120 = vector.load %arg5[%swap3A_118, %swap3A_119] : memref<2048x256xf32, #tpu.memory_space<vmem>>, vector<2048x256xf32>
      tpu.vector_store %arg5[%swap3A_118, %swap3A_119], %mul3A_117 {strides = array<i32>} : memref<2048x256xf32, #tpu.memory_space<vmem>>, vector<2048x256xf32>,
      %mul3A_121 = arith.mulf %sub3A, %sub3A : vector<2048x256xf32>
      %reduce_sum3A_122 = arith.constant dense<0.000000e+00> : vector<2048xf32>
      %reduce_sum3A_123 = vector.multi_reduction <add>, %mul3A_121, %reduce_sum3A_122 [1] : vector<2048x256xf32> to vector<2048xf32>
      %broadcast_in_dim3A_124 = vector.shape_cast %reduce_sum3A_123 : vector<2048xf32> to vector<2048x1xf32>
      %swap3A_125 = arith.constant 0 : index
      %swap3A_126 = arith.constant 0 : index
      %swap3A_127 = vector.load %arg6[%swap3A_125, %swap3A_126] : memref<2048x1xf32, #tpu.memory_space<vmem>>, vector<2048x1xf32>
      tpu.vector_store %arg6[%swap3A_125, %swap3A_126], %broadcast_in_dim3A_124 {strides = array<i32>} : memref<2048x1xf32, #tpu.memory_space<vmem>>, vector<2048x1xf32>,
      %broadcast_in_dim3A_128 = arith.constant 0x7F800000 : f32
      %broadcast_in_dim3A_129 = vector.broadcast %broadcast_in_dim3A_128 : f32 to vector<2048x128xf32>
      %swap3A_130 = arith.constant 0 : index
      %swap3A_131 = arith.constant 0 : index
      %swap3A_132 = vector.load %arg7[%swap3A_130, %swap3A_131] : memref<2048x128xf32, #tpu.memory_space<vmem>>, vector<2048x128xf32>
      tpu.vector_store %arg7[%swap3A_130, %swap3A_131], %broadcast_in_dim3A_129 {strides = array<i32>} : memref<2048x128xf32, #tpu.memory_space<vmem>>, vector<2048x128xf32>,
      %broadcast_in_dim3A_133 = arith.constant 0.000000e+00 : f32
      %broadcast_in_dim3A_134 = vector.broadcast %broadcast_in_dim3A_133 : f32 to vector<2048x128xf32>
      %swap3A_135 = arith.constant 0 : index
      %swap3A_136 = arith.constant 0 : index
      %swap3A_137 = vector.load %arg8[%swap3A_135, %swap3A_136] : memref<2048x128xf32, #tpu.memory_space<vmem>>, vector<2048x128xf32>
      tpu.vector_store %arg8[%swap3A_135, %swap3A_136], %broadcast_in_dim3A_134 {strides = array<i32>} : memref<2048x128xf32, #tpu.memory_space<vmem>>, vector<2048x128xf32>,
    } else {
    }
    %get3A = arith.constant 0 : index
    %get3A_2 = arith.constant 0 : index
    %get3A_3 = arith.constant 0 : index
    %get3A_4 = vector.load %arg3[%get3A, %get3A_2, %get3A_3] : memref<1x1024x256xf32, #tpu.memory_space<vmem>>, vector<1x1024x256xf32>
    %get3A_5 = vector.shape_cast %get3A_4 : vector<1x1024x256xf32> to vector<1024x256xf32>
    %mul3A = arith.mulf %get3A_5, %get3A_5 : vector<1024x256xf32>
    %reduce_sum3A = arith.constant dense<0.000000e+00> : vector<1024xf32>
    %reduce_sum3A_6 = vector.multi_reduction <add>, %mul3A, %reduce_sum3A [1] : vector<1024x256xf32> to vector<1024xf32>
    %get3A_7 = arith.constant 0 : index
    %get3A_8 = arith.constant 0 : index
    %get3A_9 = vector.load %arg5[%get3A_7, %get3A_8] : memref<2048x256xf32, #tpu.memory_space<vmem>>, vector<2048x256xf32>
    %dot_general3A = arith.constant dense<0.000000e+00> : vector<2048x1024xf32>
    %dot_general3A_10 = tpu.matmul %get3A_9, %get3A_5, %dot_general3A {dimension_numbers = #tpu.dot_dimension_numbers<[1], [1], [0], [0], [0, 0, 1, 0], [], []>, transpose_lhs_hint = false} : vector<2048x256xf32>, vector<1024x256xf32>, vector<2048x1024xf32> -> vector<2048x1024xf32>
    %get3A_11 = arith.constant 0 : index
    %get3A_12 = arith.constant 0 : index
    %get3A_13 = vector.load %arg6[%get3A_11, %get3A_12] : memref<2048x1xf32, #tpu.memory_space<vmem>>, vector<2048x1xf32>
    %add3A = vector.broadcast %get3A_13 : vector<2048x1xf32> to vector<2048x1024xf32>
    %add3A_14 = arith.addf %add3A, %dot_general3A_10 : vector<2048x1024xf32>
    %broadcast_in_dim3A = vector.shape_cast %reduce_sum3A_6 : vector<1024xf32> to vector<1x1024xf32>
    %add3A_15 = vector.broadcast %broadcast_in_dim3A : vector<1x1024xf32> to vector<2048x1024xf32>
    %add3A_16 = arith.addf %add3A_14, %add3A_15 : vector<2048x1024xf32>
    %get3A_17 = arith.constant 0 : index
    %get3A_18 = arith.constant 0 : index
    %get3A_19 = vector.load %arg7[%get3A_17, %get3A_18] : memref<2048x128xf32, #tpu.memory_space<vmem>>, vector<2048x128xf32>
    %get3A_20 = arith.constant 0 : index
    %get3A_21 = arith.constant 0 : index
    %get3A_22 = vector.load %arg8[%get3A_20, %get3A_21] : memref<2048x128xf32, #tpu.memory_space<vmem>>, vector<2048x128xf32>
    %slice3A = vector.extract_strided_slice %add3A_16 {offsets = [0, 0], sizes = [2048, 128], strides = [1, 1]} : vector<2048x1024xf32> to vector<2048x128xf32>
    %mul3A_23 = arith.constant 8 : i32
    %mul3A_24 = arith.muli %arg0, %mul3A_23 : i32
    %add3A_25 = arith.constant 0 : i32
    %add3A_26 = arith.addi %mul3A_24, %add3A_25 : i32
    %convert_element_type3A_27 = arith.sitofp %add3A_26 : i32 to f32
    %lt3A = arith.cmpf olt, %slice3A, %get3A_19 : vector<2048x128xf32>
    %broadcast_in_dim3A_28 = vector.broadcast %convert_element_type3A_27 : f32 to vector<2048x128xf32>
    %select_n3A = arith.select %lt3A, %broadcast_in_dim3A_28, %get3A_22 : vector<2048x128xi1>, vector<2048x128xf32>
    %min3A = arith.minimumf %slice3A, %get3A_19 : vector<2048x128xf32>
    %slice3A_29 = vector.extract_strided_slice %add3A_16 {offsets = [0, 128], sizes = [2048, 128], strides = [1, 1]} : vector<2048x1024xf32> to vector<2048x128xf32>
    %mul3A_30 = arith.constant 8 : i32
    %mul3A_31 = arith.muli %arg0, %mul3A_30 : i32
    %add3A_32 = arith.constant 1 : i32
    %add3A_33 = arith.addi %mul3A_31, %add3A_32 : i32
    %convert_element_type3A_34 = arith.sitofp %add3A_33 : i32 to f32
    %lt3A_35 = arith.cmpf olt, %slice3A_29, %min3A : vector<2048x128xf32>
    %broadcast_in_dim3A_36 = vector.broadcast %convert_element_type3A_34 : f32 to vector<2048x128xf32>
    %select_n3A_37 = arith.select %lt3A_35, %broadcast_in_dim3A_36, %select_n3A : vector<2048x128xi1>, vector<2048x128xf32>
    %min3A_38 = arith.minimumf %slice3A_29, %min3A : vector<2048x128xf32>
    %slice3A_39 = vector.extract_strided_slice %add3A_16 {offsets = [0, 256], sizes = [2048, 128], strides = [1, 1]} : vector<2048x1024xf32> to vector<2048x128xf32>
    %mul3A_40 = arith.constant 8 : i32
    %mul3A_41 = arith.muli %arg0, %mul3A_40 : i32
    %add3A_42 = arith.constant 2 : i32
    %add3A_43 = arith.addi %mul3A_41, %add3A_42 : i32
    %convert_element_type3A_44 = arith.sitofp %add3A_43 : i32 to f32
    %lt3A_45 = arith.cmpf olt, %slice3A_39, %min3A_38 : vector<2048x128xf32>
    %broadcast_in_dim3A_46 = vector.broadcast %convert_element_type3A_44 : f32 to vector<2048x128xf32>
    %select_n3A_47 = arith.select %lt3A_45, %broadcast_in_dim3A_46, %select_n3A_37 : vector<2048x128xi1>, vector<2048x128xf32>
    %min3A_48 = arith.minimumf %slice3A_39, %min3A_38 : vector<2048x128xf32>
    %slice3A_49 = vector.extract_strided_slice %add3A_16 {offsets = [0, 384], sizes = [2048, 128], strides = [1, 1]} : vector<2048x1024xf32> to vector<2048x128xf32>
    %mul3A_50 = arith.constant 8 : i32
    %mul3A_51 = arith.muli %arg0, %mul3A_50 : i32
    %add3A_52 = arith.constant 3 : i32
    %add3A_53 = arith.addi %mul3A_51, %add3A_52 : i32
    %convert_element_type3A_54 = arith.sitofp %add3A_53 : i32 to f32
    %lt3A_55 = arith.cmpf olt, %slice3A_49, %min3A_48 : vector<2048x128xf32>
    %broadcast_in_dim3A_56 = vector.broadcast %convert_element_type3A_54 : f32 to vector<2048x128xf32>
    %select_n3A_57 = arith.select %lt3A_55, %broadcast_in_dim3A_56, %select_n3A_47 : vector<2048x128xi1>, vector<2048x128xf32>
    %min3A_58 = arith.minimumf %slice3A_49, %min3A_48 : vector<2048x128xf32>
    %slice3A_59 = vector.extract_strided_slice %add3A_16 {offsets = [0, 512], sizes = [2048, 128], strides = [1, 1]} : vector<2048x1024xf32> to vector<2048x128xf32>
    %mul3A_60 = arith.constant 8 : i32
    %mul3A_61 = arith.muli %arg0, %mul3A_60 : i32
    %add3A_62 = arith.constant 4 : i32
    %add3A_63 = arith.addi %mul3A_61, %add3A_62 : i32
    %convert_element_type3A_64 = arith.sitofp %add3A_63 : i32 to f32
    %lt3A_65 = arith.cmpf olt, %slice3A_59, %min3A_58 : vector<2048x128xf32>
    %broadcast_in_dim3A_66 = vector.broadcast %convert_element_type3A_64 : f32 to vector<2048x128xf32>
    %select_n3A_67 = arith.select %lt3A_65, %broadcast_in_dim3A_66, %select_n3A_57 : vector<2048x128xi1>, vector<2048x128xf32>
    %min3A_68 = arith.minimumf %slice3A_59, %min3A_58 : vector<2048x128xf32>
    %slice3A_69 = vector.extract_strided_slice %add3A_16 {offsets = [0, 640], sizes = [2048, 128], strides = [1, 1]} : vector<2048x1024xf32> to vector<2048x128xf32>
    %mul3A_70 = arith.constant 8 : i32
    %mul3A_71 = arith.muli %arg0, %mul3A_70 : i32
    %add3A_72 = arith.constant 5 : i32
    %add3A_73 = arith.addi %mul3A_71, %add3A_72 : i32
    %convert_element_type3A_74 = arith.sitofp %add3A_73 : i32 to f32
    %lt3A_75 = arith.cmpf olt, %slice3A_69, %min3A_68 : vector<2048x128xf32>
    %broadcast_in_dim3A_76 = vector.broadcast %convert_element_type3A_74 : f32 to vector<2048x128xf32>
    %select_n3A_77 = arith.select %lt3A_75, %broadcast_in_dim3A_76, %select_n3A_67 : vector<2048x128xi1>, vector<2048x128xf32>
    %min3A_78 = arith.minimumf %slice3A_69, %min3A_68 : vector<2048x128xf32>
    %slice3A_79 = vector.extract_strided_slice %add3A_16 {offsets = [0, 768], sizes = [2048, 128], strides = [1, 1]} : vector<2048x1024xf32> to vector<2048x128xf32>
    %mul3A_80 = arith.constant 8 : i32
    %mul3A_81 = arith.muli %arg0, %mul3A_80 : i32
    %add3A_82 = arith.constant 6 : i32
    %add3A_83 = arith.addi %mul3A_81, %add3A_82 : i32
    %convert_element_type3A_84 = arith.sitofp %add3A_83 : i32 to f32
    %lt3A_85 = arith.cmpf olt, %slice3A_79, %min3A_78 : vector<2048x128xf32>
    %broadcast_in_dim3A_86 = vector.broadcast %convert_element_type3A_84 : f32 to vector<2048x128xf32>
    %select_n3A_87 = arith.select %lt3A_85, %broadcast_in_dim3A_86, %select_n3A_77 : vector<2048x128xi1>, vector<2048x128xf32>
    %min3A_88 = arith.minimumf %slice3A_79, %min3A_78 : vector<2048x128xf32>
    %slice3A_89 = vector.extract_strided_slice %add3A_16 {offsets = [0, 896], sizes = [2048, 128], strides = [1, 1]} : vector<2048x1024xf32> to vector<2048x128xf32>
    %mul3A_90 = arith.constant 8 : i32
    %mul3A_91 = arith.muli %arg0, %mul3A_90 : i32
    %add3A_92 = arith.constant 7 : i32
    %add3A_93 = arith.addi %mul3A_91, %add3A_92 : i32
    %convert_element_type3A_94 = arith.sitofp %add3A_93 : i32 to f32
    %lt3A_95 = arith.cmpf olt, %slice3A_89, %min3A_88 : vector<2048x128xf32>
    %broadcast_in_dim3A_96 = vector.broadcast %convert_element_type3A_94 : f32 to vector<2048x128xf32>
    %select_n3A_97 = arith.select %lt3A_95, %broadcast_in_dim3A_96, %select_n3A_87 : vector<2048x128xi1>, vector<2048x128xf32>
    %min3A_98 = arith.minimumf %slice3A_89, %min3A_88 : vector<2048x128xf32>
    %swap3A = arith.constant 0 : index
    %swap3A_99 = arith.constant 0 : index
    %swap3A_100 = vector.load %arg7[%swap3A, %swap3A_99] : memref<2048x128xf32, #tpu.memory_space<vmem>>, vector<2048x128xf32>
    tpu.vector_store %arg7[%swap3A, %swap3A_99], %min3A_98 {strides = array<i32>} : memref<2048x128xf32, #tpu.memory_space<vmem>>, vector<2048x128xf32>,
    %swap3A_101 = arith.constant 0 : index
    %swap3A_102 = arith.constant 0 : index
    %swap3A_103 = vector.load %arg8[%swap3A_101, %swap3A_102] : memref<2048x128xf32, #tpu.memory_space<vmem>>, vector<2048x128xf32>
    tpu.vector_store %arg8[%swap3A_101, %swap3A_102], %select_n3A_97 {strides = array<i32>} : memref<2048x128xf32, #tpu.memory_space<vmem>>, vector<2048x128xf32>,
    %eq3A_104 = arith.constant 7 : i32
    %eq3A_105 = arith.cmpi eq, %arg0, %eq3A_104 : i32
    %convert_element_type3A_106 = arith.extui %eq3A_105 : i1 to i32
    %cond3A_107 = arith.constant 0 : i32
    %cond3A_108 = arith.cmpi ne, %convert_element_type3A_106, %cond3A_107 : i32
    scf.if %cond3A_108 {
      %get3A_109 = arith.constant 0 : index
      %get3A_110 = arith.constant 0 : index
      %get3A_111 = vector.load %arg7[%get3A_109, %get3A_110] : memref<2048x128xf32, #tpu.memory_space<vmem>>, vector<2048x128xf32>
      %get3A_112 = arith.constant 0 : index
      %get3A_113 = arith.constant 0 : index
      %get3A_114 = vector.load %arg8[%get3A_112, %get3A_113] : memref<2048x128xf32, #tpu.memory_space<vmem>>, vector<2048x128xf32>
      %reduce_min3A = arith.constant dense<0x7F800000> : vector<2048xf32>
      %reduce_min3A_115 = vector.multi_reduction <minimumf>, %get3A_111, %reduce_min3A [1] : vector<2048x128xf32> to vector<2048xf32>
      %broadcast_in_dim3A_116 = vector.shape_cast %reduce_min3A_115 : vector<2048xf32> to vector<2048x1xf32>
      %iota3A = tpu.iota {dimensions = array<i32: 1>} : vector<2048x128xi32>
      %convert_element_type3A_117 = arith.sitofp %iota3A : vector<2048x128xi32> to vector<2048x128xf32>
      %eq3A_118 = vector.broadcast %broadcast_in_dim3A_116 : vector<2048x1xf32> to vector<2048x128xf32>
      %eq3A_119 = arith.cmpf oeq, %get3A_111, %eq3A_118 : vector<2048x128xf32>
      %mul3A_120 = arith.constant 1.280000e+02 : f32
      %mul3A_121 = vector.broadcast %mul3A_120 : f32 to vector<2048x128xf32>
      %mul3A_122 = arith.mulf %get3A_114, %mul3A_121 : vector<2048x128xf32>
      %add3A_123 = arith.addf %mul3A_122, %convert_element_type3A_117 : vector<2048x128xf32>
      %jit3A = arith.constant 1.638400e+04 : f32
      %broadcast_in_dim3A_124 = vector.broadcast %jit3A : f32 to vector<2048x128xf32>
      %select_n3A_125 = arith.select %eq3A_119, %add3A_123, %broadcast_in_dim3A_124 : vector<2048x128xi1>, vector<2048x128xf32>
      %reduce_min3A_126 = arith.constant dense<0x7F800000> : vector<2048xf32>
      %reduce_min3A_127 = vector.multi_reduction <minimumf>, %select_n3A_125, %reduce_min3A_126 [1] : vector<2048x128xf32> to vector<2048xf32>
      %broadcast_in_dim3A_128 = vector.shape_cast %reduce_min3A_127 : vector<2048xf32> to vector<2048x1xf32>
      %swap3A_129 = arith.constant 0 : index
      %swap3A_130 = arith.constant 0 : index
      %swap3A_131 = vector.load %arg4[%swap3A_129, %swap3A_130] : memref<2048x1xf32, #tpu.memory_space<vmem>>, vector<2048x1xf32>
      tpu.vector_store %arg4[%swap3A_129, %swap3A_130], %broadcast_in_dim3A_128 {strides = array<i32>} : memref<2048x1xf32, #tpu.memory_space<vmem>>, vector<2048x1xf32>,
    } else {
    }
    return
  }
  func.func @transform_0(%arg0: i32) -> (i32, i32) {
    %c0_i32 = arith.constant 0 : i32
    %c0_i32_0 = arith.constant 0 : i32
    %c0_i32_1 = arith.constant 0 : i32
    return %c0_i32, %c0_i32_0 : i32, i32
  }
  func.func @transform_1(%arg0: i32) -> (i32, i32) {
    %c0_i32 = arith.constant 0 : i32
    %c0_i32_0 = arith.constant 0 : i32
    %c0_i32_1 = arith.constant 0 : i32
    return %c0_i32, %c0_i32_0 : i32, i32
  }
  func.func @transform_2(%arg0: i32) -> (i32, i32, i32) {
    %c3_i32 = arith.constant 3 : i32
    %c0_i32 = arith.constant 0 : i32
    %c0_i32_0 = arith.constant 0 : i32
    return %c3_i32, %arg0, %c0_i32 : i32, i32, i32
  }
  func.func @transform_3(%arg0: i32) -> (i32, i32) {
    %c0_i32 = arith.constant 0 : i32
    %c0_i32_0 = arith.constant 0 : i32
    %c0_i32_1 = arith.constant 0 : i32
    return %c0_i32, %c0_i32_0 : i32, i32
  }
}

</mosaic_0001>

<sc_bundles>
// kernel: kernel.12.cloned.1.call-start
scs
__scs_entry_jumppad:
0x0: {  	(pc) =	sbr.rel $0x88, $3  }
0x1: {  	(tag) =	ssettag $0x0;
	lr =	simm.s32 $0x1  }
0x2: {  	[smem:$0x3F9D] =	sst lr;
	_ =	strace $0xD0000000  }
0x3: {  	_ = 	snop  }
0x4: {  	_ = 	snop  }
0x5: {  	_ = 	snop  }
0x6: {  	_ = 	snop  }
0x7: {  	_ = 	snop  }
__scs_overlays_trampoline_lowered:
0x8: {  	[smem:$0x3FAC] =	sst s0  }
0x9: {  	[smem:$0x3FAD] =	sst s1  }
0xa: {  	[smem:$0x3FAE] =	sst s2  }
0xb: {  	[smem:$0x3FAF] =	sst s3  }
0xc: {  	[smem:$0x3FB0] =	sst s4  }
0xd: {  	[smem:$0x3FB1] =	sst s5  }
0xe: {  	[smem:$0x3FB2] =	sst s6  }
0xf: {  	[smem:$0x3FB3] =	sst s7  }
0x10: {  	[smem:$0x3FB4] =	sst s8  }
0x11: {  	[smem:$0x3FB5] =	sst s9;
	s0 =	simm.s32 @!p0 $0x0  }
0x12: {  	s1 =	sld [smem:$0x3F9B];
	s0 =	simm.s32 @p0 $0x1  }
0x13: {  	[smem:$0x3FB6] =	sst s0;
	s0 =	simm.s32 @!p1 $0x0  }
0x14: {  	s2 =	sld [smem:$0x3F9A];
	s0 =	simm.s32 @p1 $0x1  }
0x15: {  	[smem:$0x3FB7] =	sst s0;
	s0 =	simm.s32 @!p2 $0x0  }
0x16: {  	s3 =	sld [smem:$0x3FDB];
	s0 =	simm.s32 @p2 $0x1  }
0x17: {  	s4 =	simm.s32 $0x1BF5;
	[smem:$0x3FB9] =	sst s0  }
0x18: {  	s0 =	sld [smem:$0x3F9C];
	_ =	swait.ge [sflag:s4], $0x0  }
0x19: {  	s7 =	sld [smem:$0x3F9D]  }
0x1a: {  	s8 =	sadd.s32 $0xFFFFE003, lr  }
0x1b: {  	s9 =	sadd.s32 $0xFFFFFEF7, lr;
	s5 =	simm.s32 $0xFFFFFFFF;
	p2 =	slt.u32 s8, $0xFFFFF086  }
0x1c: {  	p1 =	slt.u32 s9, $0xF7A;
	s5 =	simm.s32 @!p2 $0x0  }
0x1d: {  	s5 =	simm.s32 @p1 $0x1;
	p0 =	seq.s32 s7, s2  }
0x1e: {  	s7 =	smul.u32 @!p0 $0xF7A, s2;
	p2 =	seq.s32 @!p0 s5, $0x0  }
0x1f: {  	s9 =	smul.u32 $0xF7A, s1;
	s8 =	simm.s32 @!p0 $0x1BF5;
	p2 =	por !p2, p0  }
0x20: {  	[sflag:s8] =	ssyncset.s32 @!p0 $0xFFFFF086;
	s6 =	sadd.s32 @!p0 s3, s7;
	s7 =	simm.s32 @!p0 $0x108  }
0x21: {  	s3 =	sadd.s32 s3, s9;
	s6 =	sadd.s32 @!p0 $0x88, s6;
	s7 =	simm.s32 @p2 $0x1082  }
0x22: {  	[simem:s7], [sflag:s8] =	dma.local @!p0 [hbm:s6], $0xF7A  }
0x23: {  	s9 =	sor.u32 $0xD0000000, s2;
	s6 =	simm.s32 $0x108;
	_ =	swait.ge @!p0 [sflag:s8], $0x0  }
0x24: {  	s3 =	sadd.s32 $0x88, s3;
	s6 =	simm.s32 @!p1 $0x1082;
	[sflag:s4] =	ssyncset.s32 $0xFFFFF086  }
0x25: {  	[simem:s6], [sflag:s4] =	dma.local [hbm:s3], $0xF7A  }
0x26: {  	[smem:$0x3F9D] =	sst s1;
	(tag) =	ssettag s2;
	_ =	strace s9  }
0x27: {  	s1 =	sld [smem:$0x3FAD]  }
0x28: {  	s2 =	sld [smem:$0x3FAE]  }
0x29: {  	s4 =	sld [smem:$0x3FB0]  }
0x2a: {  	p0 =	seq.s32 s5, $0x0;
	s5 =	sld [smem:$0x3FB1]  }
0x2b: {  	s6 =	sld [smem:$0x3FB2]  }
0x2c: {  	s7 =	sld [smem:$0x3FB3]  }
0x2d: {  	s3 =	simm.s32 $0x108;
	s8 =	sld [smem:$0x3FB4]  }
0x2e: {  	s3 =	simm.s32 @!p0 $0x1082;
	s9 =	sld [smem:$0x3FB5]  }
0x2f: {  	lr =	sadd.s32 s0, s3;
	s0 =	sld [smem:$0x3FAC]  }
0x30: {  	s3 =	sld [smem:$0x3FAF]  }
0x31: {  	[smem:$0x3FB8] =	sst s10  }
0x32: {  	s10 =	sld [smem:$0x3FB6];
	_ =	sdelay $0x3  }
0x33: {  	p0 =	seq.s32 s10, $0x1;
	s10 =	sld [smem:$0x3FB8];
	_ =	sdelay $0x3  }
0x34: {  	[smem:$0x3FB8] =	sst s10  }
0x35: {  	s10 =	sld [smem:$0x3FB7];
	_ =	sdelay $0x3  }
0x36: {  	p1 =	seq.s32 s10, $0x1;
	s10 =	sld [smem:$0x3FB8];
	_ =	sdelay $0x3  }
0x37: {  	[smem:$0x3FB8] =	sst s10  }
0x38: {  	s10 =	sld [smem:$0x3FB9]  }
0x39: {  	_ = 	snop;
	(pc) =	sbr.ind lr, $3  }
0x3a: {  	_ = 	snop  }
0x3b: {  	_ = 	snop  }
0x3c: {  	p2 =	seq.s32 s10, $0x1;
	s10 =	sld [smem:$0x3FB8]  }
0x3d: {  	_ =	shalt  }
0x3e: {  	_ =	shalt  }
0x3f: {  	_ =	shalt  }
0x40: {  	_ =	shalt  }
0x41: {  	_ =	shalt  }
0x42: {  	_ =	shalt  }
0x43: {  	_ =	shalt  }
0x44: {  	_ =	shalt  }
0x45: {  	_ =	shalt  }
0x46: {  	_ =	shalt  }
0x47: {  	_ =	shalt  }
0x48: {  	_ =	shalt  }
0x49: {  	_ =	shalt  }
0x4a: {  	_ =	shalt  }
0x4b: {  	_ =	shalt  }
0x4c: {  	_ =	shalt  }
0x4d: {  	_ =	shalt  }
0x4e: {  	_ =	shalt  }
0x4f: {  	_ =	shalt  }
0x50: {  	_ =	shalt  }
0x51: {  	_ =	shalt  }
0x52: {  	_ =	shalt  }
0x53: {  	_ =	shalt  }
0x54: {  	_ =	shalt  }
0x55: {  	_ =	shalt  }
0x56: {  	_ =	shalt  }
0x57: {  	_ =	shalt  }
0x58: {  	_ =	shalt  }
0x59: {  	_ =	shalt  }
0x5a: {  	_ =	shalt  }
0x5b: {  	_ =	shalt  }
0x5c: {  	_ =	shalt  }
0x5d: {  	_ =	shalt  }
0x5e: {  	_ =	shalt  }
0x5f: {  	_ =	shalt  }
0x60: {  	_ =	shalt  }
0x61: {  	_ =	shalt  }
0x62: {  	_ =	shalt  }
0x63: {  	_ =	shalt  }
0x64: {  	_ =	shalt  }
0x65: {  	_ =	shalt  }
0x66: {  	_ =	shalt  }
0x67: {  	_ =	shalt  }
0x68: {  	_ =	shalt  }
0x69: {  	_ =	shalt  }
0x6a: {  	_ =	shalt  }
0x6b: {  	_ =	shalt  }
0x6c: {  	_ =	shalt  }
0x6d: {  	_ =	shalt  }
0x6e: {  	_ =	shalt  }
0x6f: {  	_ =	shalt  }
0x70: {  	_ =	shalt  }
0x71: {  	_ =	shalt  }
0x72: {  	_ =	shalt  }
0x73: {  	_ =	shalt  }
0x74: {  	_ =	shalt  }
0x75: {  	_ =	shalt  }
0x76: {  	_ =	shalt  }
0x77: {  	_ =	shalt  }
0x78: {  	_ =	shalt  }
0x79: {  	_ =	shalt  }
0x7a: {  	_ =	shalt  }
0x7b: {  	_ =	shalt  }
0x7c: {  	_ =	shalt  }
0x7d: {  	_ =	shalt  }
0x7e: {  	_ =	shalt  }
0x7f: {  	_ =	shalt  }
0x80: {  	_ =	shalt  }
0x81: {  	_ =	shalt  }
0x82: {  	_ =	shalt  }
0x83: {  	_ =	shalt  }
0x84: {  	_ =	shalt  }
0x85: {  	_ =	shalt  }
0x86: {  	_ =	shalt  }
0x87: {  	_ =	shalt  }
.Lfunc_end0:
.L_simem_size_0:
called_computation.1_lowered:
.L_overlay_start_0:
0x88: {  	s2 =	sld [smem:$0x3FD9]  }
0x89: {  	s3 =	sld [smem:$0x3FFE];
	_ =	sdelay $0x1  }
0x8a: {  	s1 =	srdreg.scid  }
0x8b: {  	s0 =	sand.u32 $0x1, s1  }
0x8c: {  	s14 =	sshll.u32 s0, $0xA;
	s2 =	sadd.s32 s3, s2  }
0x8d: {  	s2 =	sadd.s32 s2, s14  }
0x8e: {  	[smem:$0x3FC4] =	sst s2  }
0x8f: {  	_ = 	snop  }
0x90: {  	s2 =	sld [smem:$0x3FD0];
	_ =	sdelay $0x2  }
0x91: {  	s4 =	simm.s32 $0xA;
	s5 =	simm.s32 $0x10;
	s15 =	sld [smem:$0x3FC6]  }
0x92: {  	[smem:s5], [sflag:s4] =	dma.local [hbm:s2], $0x1  }
0x93: {  	_ =	swait.eq [sflag:s4], $0x1  }
0x94: {  	[sflag:s4] =	ssyncset.done $0x0  }
0x95: {  	[sflag:s4] =	ssyncadd.s32 $0xFFFFFFFF  }
0x96: {  	s16 =	sld [smem:$0x10];
	(tm) =	ssettm $0x1  }
0x97: {  	s17 =	sld [smem:$0x3FFB];
	_ =	sdelay $0x3  }
0x98: {  	_ =	strace s17  }
0x99: {  	s4 =	sld [smem:$0x3FFC];
	_ =	sdelay $0x3  }
0x9a: {  	_ =	strace s4  }
0x9b: {  	s4 =	sld [smem:$0x3FFD];
	_ =	sdelay $0x3  }
0x9c: {  	_ =	strace s4  }
0x9d: {  	_ =	strace $0x8FFFFFFF  }
0x9e: {  	s18 =	sld [smem:$0x3FDB];
	_ =	sdelay $0x1  }
0x9f: {  	s19 =	simm.s32 $_scs_section_size  }
0xa0: {  	s6 =	simm.s32 $_size__tile_overlayer_lowered;
	s7 =	simm.s32 $_tile_overlayer_lowered  }
0xa1: {  	s22 =	simm.s32 $0x1BFF;
	s21 =	sshll.u32 s7, $0x1;
	s4 =	sadd.s32 s19, s18  }
0xa2: {  	s8 =	simm.s32 $0x0;
	s20 =	sshll.u32 s6, $0x1;
	s6 =	sadd.s32 s21, s4  }
0xa3: {  	[timem:s8], [sflag:s22] =	dma.local [hbm:s6], s20  }
0xa4: {  	_ =	swait.ge [sflag:s22], s20  }
0xa5: {  	s5 =	ssub.s32 $0x0, s20;
	[sflag:s22] =	ssyncset.done $0x0  }
0xa6: {  	[sflag:s22] =	ssyncadd.s32 s5;
	_ =	sdelay $0x1  }
0xa7: {  	s23 =	simm.s32 $0x1B8B  }
0xa8: {  	_ =	swait.ge [sflag:s23], $0x1  }
0xa9: {  	[sflag:s23] =	ssyncset.done $0x0  }
0xaa: {  	s25 =	simm.s32 $0x1B8E;
	s24 =	sld [smem:$0x3FFE];
	[sflag:s23] =	ssyncadd.s32 $0xFFFFFFFF  }
0xab: {  	s26 =	simm.s32 $execute0_lowered;
	[smem:$0x3FD2] =	sst s25  }
0xac: {  	s6 =	sshll.u32 s26, $0x1;
	_ =	strace $0x80000049;
	[dreg:$0x1] =	wrdreg $0xFFFFFFFF  }
0xad: {  	s28 =	simm.s32 $_size_execute0_lowered;
	s4 =	sadd.s32 s4, s6;
	[dreg:$0x0] =	wrdreg $0x0  }
0xae: {  	s6 =	sshll.u32 s28, $0x1;
	[dreg:$0x2] =	wrdreg s4  }
0xaf: {  	[dreg:$0x3] =	wrdreg s6  }
0xb0: {  	[dreg:$0x4] =	wrdreg $0xC0  }
0xb1: {  	_ =	task [dreg:s8], $0x5FFFF  }
0xb2: {  	[dreg:$0x1] =	wrdreg $0xFFFFFFFF  }
0xb3: {  	[dreg:$0x0] =	wrdreg $0x60  }
0xb4: {  	[dreg:$0x2] =	wrdreg s15  }
0xb5: {  	[dreg:$0x3] =	wrdreg s16  }
0xb6: {  	[dreg:$0x4] =	wrdreg s24  }
0xb7: {  	[dreg:$0x5] =	wrdreg $0x9  }
0xb8: {  	_ =	task.clear_ibuf [dreg:s8], $0x6FFFF;
	_ =	strace $0x90000049  }
0xb9: {  	s29 =	simm.s32 $0x9;
	_ =	strace $0x8000004B  }
0xba: {  	_ =	swait.ge [sflag:s29], $0x1  }
0xbb: {  	[sflag:s29] =	ssyncadd.s32 $0xFFFFFFFF  }
0xbc: {  	_ =	strace $0x9000004B  }
0xbd: {  	_ =	sfence  }
0xbe: {  	s30 =	sld [smem:$0x0];
	_ =	sdelay $0x2  }
0xbf: {  	s31 =	sshll.u32 s1, $0xD;
	s1 =	sshrl.u32 s1, $0x2  }
0xc0: {  	s3 =	sand.u32 $0x4000, s31;
	s1 =	sadd.s32 s1, s30  }
0xc1: {  	s0 =	sor.u32 s3, s0;
	s1 =	sshll.u32 s1, $0x11  }
0xc2: {  	s0 =	sor.u32 s1, s0  }
0xc3: {  	s0 =	sadd.s32 $0x8F2B, s0  }
0xc4: {  	[sflag:s0] =	ssyncadd.remote.s32 $0x1  }
0xc5: {  	_ =	sfence.sel $0xFFFF  }
0xc6: {  	[dreg:$0x0] =	wrdreg $0xFFFFFFFF;
	(pc) =	sbr.abs _section_cstart, $3  }
0xc7: {  	[dreg:$0x1] =	wrdreg $0xFFFFFFFF  }
0xc8: {  	_ =	task.clear_ibuf [dreg:s8], $0x2FFFF;
	_ =	strace $0x9FFFFFFF  }
0xc9: {  	(tm) =	ssettm $0x7FFFFFFF  }
tec
execute0_lowered:
.L_overlay_start_1:
0x0: {  	(tag) =	ssettag $0x1  }
0x1: {  	s1 =	rddreg [dreg:$0x0]  }
0x2: {  	s4 =	rddreg [dreg:$0x1]  }
0x3: {  	s5 =	rddreg [dreg:$0x2]  }
0x4: {  	s0 =	rddreg [dreg:$0x3];
	s6 =	srdreg.scid  }
0x5: {  	s3 =	simm.s32 $0x0;
	s2 =	stileid.u32;
	s10 =	simm.s32 $0x1080  }
0x6: {  	s11 =	simm.s32 $0x1880;
	s12 =	simm.s32 $0x2080;
	s13 =	simm.s32 $0x2880  }
0x7: {  	s14 =	simm.s32 $0x3080;
	s15 =	simm.s32 $0x3880;
	s6 =	sand.u32 $0x1, s6  }
0x8: {  	s16 =	simm.s32 $0x1;
	s7 =	sshll.u32 s2, $0x7;
	s8 =	sshll.u32 s6, $0x6  }
0x9: {  	[smem:$0x7FF] =	sst s3;
	s6 =	ssub.s32 $0x2, s6;
	s7 =	sor.u32 s8, s7  }
0xa: {  	_ =	strace $0x8000004A;
	s9 =	sshrl.u32 s6, $0x1;
	s8 =	sshll.u32 s7, $0x5  }
0xb: {  	v2 =	vlaneseq.u32;
	s7 =	sshrl.u32 s7, $0x3;
	s6 =	ssub.s32 s6, s9;
	s9 =	simm.s32 $0x880  }
0xc: {  	vm0 =	vmmov $0xffff;
	v1 =	vshrl.u32 v2, $0x3;
	s5 =	sadd.s32 s8, s5;
	s4 =	sadd.s32 s4, s7;
	s6 =	smax.u32 s6, $0x1  }
0xd: {  	v0 =	vand.u32 $0x7, v2;
	v2 =	vor.u32 $0x8, v2;
	v1 =	vmul.u32 $0x8, v1;
	s7 =	simm.s32 $0x2;
	s8 =	simm.s32 $0x80;
	s5 =	sadd.s32 $0xE00, s5  }
.LBB2_1:
0xe: {  	[tilespmem:s3], [sflag:$0x2] =	stream.linear.gather [hbm4b:s4+s3], $0x40, $0x38;
	[tilespmem:$0x4080] =	vst v63  }
0xf: {  	_ =	swait.ge [sflag:s7], $0x40  }
0x10: {  	[sflag:s7] =	ssyncset.done $0x0  }
0x11: {  	[sflag:s7] =	ssyncadd.s32 $0xFFFFFFC0  }
0x12: {  	v3 =	vld [tilespmem:$0x0];
	_ =	sdelay $0x4  }
0x13: {  	v4 =	vshll.u32 v3, $0x1  }
0x14: {  	v3 =	vand.u32 $0x7, v3;
	v4 =	vand.u32 $0xFFFFFFF0, v4  }
0x15: {  	v3 =	vor.u32 v3, v4  }
0x16: {  	v4 =	vperm.xlane v3, v0;
	_ =	sdelay $0x1  }
0x17: {  	v3 =	vperm.xlane v3, v2;
	v4 =	vadd.s32 v1, v4;
	_ =	sdelay $0x1  }
0x18: {  	v3 =	vadd.s32 v1, v3;
	_ =	sdelay $0x2  }
0x19: {  	[tilespmem:s8], [sflag:$0x1] =	stream.indirect_vreg.gather [hbm4b:s1+s3], $0x80, v4, vm0, $0xb8;
	[tilespmem:$0x4080] =	vst v63  }
0x1a: {  	_ = 	snop  }
0x1b: {  	[tilespmem:s9], [sflag:$0x1] =	stream.indirect_vreg.gather [hbm4b:s1+s3], $0x80, v3, vm0, $0xb8;
	[tilespmem:$0x4080] =	vst v63  }
0x1c: {  	v3 =	vld [tilespmem:$0x10];
	_ =	sdelay $0x4  }
0x1d: {  	v61 =	vshll.u32 v3, $0x1  }
0x1e: {  	v3 =	vand.u32 $0x7, v3;
	v4 =	vand.u32 $0xFFFFFFF0, v61  }
0x1f: {  	v3 =	vor.u32 v3, v4  }
0x20: {  	v4 =	vperm.xlane v3, v0;
	_ =	sdelay $0x1  }
0x21: {  	v3 =	vperm.xlane v3, v2;
	v4 =	vadd.s32 v1, v4;
	_ =	sdelay $0x1  }
0x22: {  	v3 =	vadd.s32 v1, v3;
	_ =	sdelay $0x2  }
0x23: {  	[tilespmem:s10], [sflag:$0x1] =	stream.indirect_vreg.gather [hbm4b:s1+s3], $0x80, v4, vm0, $0xb8;
	[tilespmem:$0x4080] =	vst v63  }
0x24: {  	_ = 	snop  }
0x25: {  	[tilespmem:s11], [sflag:$0x1] =	stream.indirect_vreg.gather [hbm4b:s1+s3], $0x80, v3, vm0, $0xb8;
	[tilespmem:$0x4080] =	vst v63  }
0x26: {  	v3 =	vld [tilespmem:$0x20];
	_ =	sdelay $0x4  }
0x27: {  	v62 =	vshll.u32 v3, $0x1  }
0x28: {  	v3 =	vand.u32 $0x7, v3;
	v4 =	vand.u32 $0xFFFFFFF0, v62  }
0x29: {  	v3 =	vor.u32 v3, v4  }
0x2a: {  	v4 =	vperm.xlane v3, v0;
	_ =	sdelay $0x1  }
0x2b: {  	v3 =	vperm.xlane v3, v2;
	v4 =	vadd.s32 v1, v4;
	_ =	sdelay $0x1  }
0x2c: {  	v3 =	vadd.s32 v1, v3;
	_ =	sdelay $0x2  }
0x2d: {  	[tilespmem:s12], [sflag:$0x1] =	stream.indirect_vreg.gather [hbm4b:s1+s3], $0x80, v4, vm0, $0xb8;
	[tilespmem:$0x4080] =	vst v63  }
0x2e: {  	_ = 	snop  }
0x2f: {  	[tilespmem:s13], [sflag:$0x1] =	stream.indirect_vreg.gather [hbm4b:s1+s3], $0x80, v3, vm0, $0xb8;
	[tilespmem:$0x4080] =	vst v63  }
0x30: {  	v3 =	vld [tilespmem:$0x30];
	_ =	sdelay $0x4  }
0x31: {  	v63 =	vshll.u32 v3, $0x1  }
0x32: {  	v3 =	vand.u32 $0x7, v3;
	v4 =	vand.u32 $0xFFFFFFF0, v63  }
0x33: {  	v3 =	vor.u32 v3, v4  }
0x34: {  	v4 =	vperm.xlane v3, v0;
	_ =	sdelay $0x1  }
0x35: {  	v3 =	vperm.xlane v3, v2;
	v4 =	vadd.s32 v1, v4;
	_ =	sdelay $0x1  }
0x36: {  	v3 =	vadd.s32 v1, v3;
	_ =	sdelay $0x2  }
0x37: {  	[tilespmem:s14], [sflag:$0x1] =	stream.indirect_vreg.gather [hbm4b:s1+s3], $0x80, v4, vm0, $0xb8;
	[tilespmem:$0x4080] =	vst v63  }
0x38: {  	_ = 	snop  }
0x39: {  	[tilespmem:s15], [sflag:$0x1] =	stream.indirect_vreg.gather [hbm4b:s1+s3], $0x80, v3, vm0, $0xb8;
	[tilespmem:$0x4080] =	vst v63  }
0x3a: {  	_ =	swait.ge [sflag:s16], $0x4000  }
0x3b: {  	p0 =	sne.s32 s6, $0x1;
	[sflag:s16] =	ssyncset.done $0x0  }
.Ltmp0:
0x3c: {  	[sflag:s16] =	ssyncadd.s32 $0xFFFFC000;
	(pc) =	sbr.rel @p0 .LBB2_1-.Ltmp0, $4  }
0x3d: {  	[hbm4b:s5+s3] =	stream.linear.scatter [tilespmem:s8], [sflag:$0x2], $0x4000, $0x38;
	[tilespmem:$0x4080] =	vst v63  }
0x3e: {  	_ =	swait.ge [sflag:s7], $0x4000  }
0x3f: {  	[sflag:s7] =	ssyncset.done $0x0  }
0x40: {  	s6 =	sadd.s32 $0xFFFFFFFF, s6;
	[sflag:s7] =	ssyncadd.s32 $0xFFFFC000  }
0x41: {  	_ =	sfence.sel $0x180000  }
0x42: {  	[bflag:$0x0] =	sbarrier.arrive $0xFFFF  }
0x43: {  	p0 =	sne.s32 s2, $0x0;
	_ =	strace $0x9000004A  }
0x44: {  	s0 =	sadd.s32 @!p0 $0x100000, s0;
	[bflag:$0x2] =	sbarrier.arrive $0xFFFF  }
0x45: {  	[sflag:s0] =	ssyncadd.tile.s32 @!p0 $0x1;
	_ =	shalt  }
.Lfunc_end2:
_tile_overlayer_lowered:
.L_overlay_start_2:
0x46: {  	(tag) =	ssettag $0x2  }
0x47: {  	s0 =	rddreg [dreg:$0x0];
	s2 =	stileid.u32  }
0x48: {  	s1 =	rddreg [dreg:$0x1];
	p0 =	sne.s32 s2, $0x0  }
0x49: {  	s3 =	rddreg [dreg:$0x2];
	[bflag:$0x3] =	sbarrier.arrive $0xFFFF;
	s2 =	simm.s32 @!p0 $0x1C02  }
0x4a: {  	[timem:s3], [sflag:s2] =	dma.local @!p0 [hbm:s0], s1  }
0x4b: {  	s0 =	simm.s32 @!p0 $0x2  }
0x4c: {  	_ =	swait.ge @!p0 [sflag:s0], s1  }
0x4d: {  	s1 =	ssub.s32 @!p0 $0x0, s1;
	[sflag:s0] =	ssyncset.done @!p0 $0x0  }
0x4e: {  	[sflag:s0] =	ssyncadd.s32 @!p0 s1  }
0x4f: {  	[bflag:$0x3] =	sbarrier.arrive $0xFFFF  }
0x50: {  	_ =	shalt  }

// kernel: kernel.15.cloned.1.call-start
scs
__scs_entry_jumppad:
0x0: {  	(pc) =	sbr.rel $0x88, $3  }
0x1: {  	(tag) =	ssettag $0x0;
	lr =	simm.s32 $0x1  }
0x2: {  	[smem:$0x3F9D] =	sst lr;
	_ =	strace $0xD0000000  }
0x3: {  	_ = 	snop  }
0x4: {  	_ = 	snop  }
0x5: {  	_ = 	snop  }
0x6: {  	_ = 	snop  }
0x7: {  	_ = 	snop  }
__scs_overlays_trampoline_lowered:
0x8: {  	[smem:$0x3FAC] =	sst s0  }
0x9: {  	[smem:$0x3FAD] =	sst s1  }
0xa: {  	[smem:$0x3FAE] =	sst s2  }
0xb: {  	[smem:$0x3FAF] =	sst s3  }
0xc: {  	[smem:$0x3FB0] =	sst s4  }
0xd: {  	[smem:$0x3FB1] =	sst s5  }
0xe: {  	[smem:$0x3FB2] =	sst s6  }
0xf: {  	[smem:$0x3FB3] =	sst s7  }
0x10: {  	[smem:$0x3FB4] =	sst s8  }
0x11: {  	[smem:$0x3FB5] =	sst s9;
	s0 =	simm.s32 @!p0 $0x0  }
0x12: {  	s1 =	sld [smem:$0x3F9B];
	s0 =	simm.s32 @p0 $0x1  }
0x13: {  	[smem:$0x3FB6] =	sst s0;
	s0 =	simm.s32 @!p1 $0x0  }
0x14: {  	s2 =	sld [smem:$0x3F9A];
	s0 =	simm.s32 @p1 $0x1  }
0x15: {  	[smem:$0x3FB7] =	sst s0;
	s0 =	simm.s32 @!p2 $0x0  }
0x16: {  	s3 =	sld [smem:$0x3FDB];
	s0 =	simm.s32 @p2 $0x1  }
0x17: {  	s4 =	simm.s32 $0x1BF5;
	[smem:$0x3FB9] =	sst s0  }
0x18: {  	s0 =	sld [smem:$0x3F9C];
	_ =	swait.ge [sflag:s4], $0x0  }
0x19: {  	s7 =	sld [smem:$0x3F9D]  }
0x1a: {  	s8 =	sadd.s32 $0xFFFFE003, lr  }
0x1b: {  	s9 =	sadd.s32 $0xFFFFFEF7, lr;
	s5 =	simm.s32 $0xFFFFFFFF;
	p2 =	slt.u32 s8, $0xFFFFF086  }
0x1c: {  	p1 =	slt.u32 s9, $0xF7A;
	s5 =	simm.s32 @!p2 $0x0  }
0x1d: {  	s5 =	simm.s32 @p1 $0x1;
	p0 =	seq.s32 s7, s2  }
0x1e: {  	s7 =	smul.u32 @!p0 $0xF7A, s2;
	p2 =	seq.s32 @!p0 s5, $0x0  }
0x1f: {  	s9 =	smul.u32 $0xF7A, s1;
	s8 =	simm.s32 @!p0 $0x1BF5;
	p2 =	por !p2, p0  }
0x20: {  	[sflag:s8] =	ssyncset.s32 @!p0 $0xFFFFF086;
	s6 =	sadd.s32 @!p0 s3, s7;
	s7 =	simm.s32 @!p0 $0x108  }
0x21: {  	s3 =	sadd.s32 s3, s9;
	s6 =	sadd.s32 @!p0 $0x88, s6;
	s7 =	simm.s32 @p2 $0x1082  }
0x22: {  	[simem:s7], [sflag:s8] =	dma.local @!p0 [hbm:s6], $0xF7A  }
0x23: {  	s9 =	sor.u32 $0xD0000000, s2;
	s6 =	simm.s32 $0x108;
	_ =	swait.ge @!p0 [sflag:s8], $0x0  }
0x24: {  	s3 =	sadd.s32 $0x88, s3;
	s6 =	simm.s32 @!p1 $0x1082;
	[sflag:s4] =	ssyncset.s32 $0xFFFFF086  }
0x25: {  	[simem:s6], [sflag:s4] =	dma.local [hbm:s3], $0xF7A  }
0x26: {  	[smem:$0x3F9D] =	sst s1;
	(tag) =	ssettag s2;
	_ =	strace s9  }
0x27: {  	s1 =	sld [smem:$0x3FAD]  }
0x28: {  	s2 =	sld [smem:$0x3FAE]  }
0x29: {  	s4 =	sld [smem:$0x3FB0]  }
0x2a: {  	p0 =	seq.s32 s5, $0x0;
	s5 =	sld [smem:$0x3FB1]  }
0x2b: {  	s6 =	sld [smem:$0x3FB2]  }
0x2c: {  	s7 =	sld [smem:$0x3FB3]  }
0x2d: {  	s3 =	simm.s32 $0x108;
	s8 =	sld [smem:$0x3FB4]  }
0x2e: {  	s3 =	simm.s32 @!p0 $0x1082;
	s9 =	sld [smem:$0x3FB5]  }
0x2f: {  	lr =	sadd.s32 s0, s3;
	s0 =	sld [smem:$0x3FAC]  }
0x30: {  	s3 =	sld [smem:$0x3FAF]  }
0x31: {  	[smem:$0x3FB8] =	sst s10  }
0x32: {  	s10 =	sld [smem:$0x3FB6];
	_ =	sdelay $0x3  }
0x33: {  	p0 =	seq.s32 s10, $0x1;
	s10 =	sld [smem:$0x3FB8];
	_ =	sdelay $0x3  }
0x34: {  	[smem:$0x3FB8] =	sst s10  }
0x35: {  	s10 =	sld [smem:$0x3FB7];
	_ =	sdelay $0x3  }
0x36: {  	p1 =	seq.s32 s10, $0x1;
	s10 =	sld [smem:$0x3FB8];
	_ =	sdelay $0x3  }
0x37: {  	[smem:$0x3FB8] =	sst s10  }
0x38: {  	s10 =	sld [smem:$0x3FB9]  }
0x39: {  	_ = 	snop;
	(pc) =	sbr.ind lr, $3  }
0x3a: {  	_ = 	snop  }
0x3b: {  	_ = 	snop  }
0x3c: {  	p2 =	seq.s32 s10, $0x1;
	s10 =	sld [smem:$0x3FB8]  }
0x3d: {  	_ =	shalt  }
0x3e: {  	_ =	shalt  }
0x3f: {  	_ =	shalt  }
0x40: {  	_ =	shalt  }
0x41: {  	_ =	shalt  }
0x42: {  	_ =	shalt  }
0x43: {  	_ =	shalt  }
0x44: {  	_ =	shalt  }
0x45: {  	_ =	shalt  }
0x46: {  	_ =	shalt  }
0x47: {  	_ =	shalt  }
0x48: {  	_ =	shalt  }
0x49: {  	_ =	shalt  }
0x4a: {  	_ =	shalt  }
0x4b: {  	_ =	shalt  }
0x4c: {  	_ =	shalt  }
0x4d: {  	_ =	shalt  }
0x4e: {  	_ =	shalt  }
0x4f: {  	_ =	shalt  }
0x50: {  	_ =	shalt  }
0x51: {  	_ =	shalt  }
0x52: {  	_ =	shalt  }
0x53: {  	_ =	shalt  }
0x54: {  	_ =	shalt  }
0x55: {  	_ =	shalt  }
0x56: {  	_ =	shalt  }
0x57: {  	_ =	shalt  }
0x58: {  	_ =	shalt  }
0x59: {  	_ =	shalt  }
0x5a: {  	_ =	shalt  }
0x5b: {  	_ =	shalt  }
0x5c: {  	_ =	shalt  }
0x5d: {  	_ =	shalt  }
0x5e: {  	_ =	shalt  }
0x5f: {  	_ =	shalt  }
0x60: {  	_ =	shalt  }
0x61: {  	_ =	shalt  }
0x62: {  	_ =	shalt  }
0x63: {  	_ =	shalt  }
0x64: {  	_ =	shalt  }
0x65: {  	_ =	shalt  }
0x66: {  	_ =	shalt  }
0x67: {  	_ =	shalt  }
0x68: {  	_ =	shalt  }
0x69: {  	_ =	shalt  }
0x6a: {  	_ =	shalt  }
0x6b: {  	_ =	shalt  }
0x6c: {  	_ =	shalt  }
0x6d: {  	_ =	shalt  }
0x6e: {  	_ =	shalt  }
0x6f: {  	_ =	shalt  }
0x70: {  	_ =	shalt  }
0x71: {  	_ =	shalt  }
0x72: {  	_ =	shalt  }
0x73: {  	_ =	shalt  }
0x74: {  	_ =	shalt  }
0x75: {  	_ =	shalt  }
0x76: {  	_ =	shalt  }
0x77: {  	_ =	shalt  }
0x78: {  	_ =	shalt  }
0x79: {  	_ =	shalt  }
0x7a: {  	_ =	shalt  }
0x7b: {  	_ =	shalt  }
0x7c: {  	_ =	shalt  }
0x7d: {  	_ =	shalt  }
0x7e: {  	_ =	shalt  }
0x7f: {  	_ =	shalt  }
0x80: {  	_ =	shalt  }
0x81: {  	_ =	shalt  }
0x82: {  	_ =	shalt  }
0x83: {  	_ =	shalt  }
0x84: {  	_ =	shalt  }
0x85: {  	_ =	shalt  }
0x86: {  	_ =	shalt  }
0x87: {  	_ =	shalt  }
.Lfunc_end0:
.L_simem_size_0:
called_computation.2_lowered:
.L_overlay_start_0:
0x88: {  	s2 =	sld [smem:$0x3FD9]  }
0x89: {  	s3 =	sld [smem:$0x3FFE];
	_ =	sdelay $0x1  }
0x8a: {  	s1 =	srdreg.scid  }
0x8b: {  	s0 =	sand.u32 $0x1, s1  }
0x8c: {  	s14 =	sshll.u32 s0, $0xA;
	s2 =	sadd.s32 s3, s2  }
0x8d: {  	s2 =	sadd.s32 s2, s14  }
0x8e: {  	[smem:$0x3FC4] =	sst s2  }
0x8f: {  	_ = 	snop  }
0x90: {  	s2 =	sld [smem:$0x3FD0];
	_ =	sdelay $0x2  }
0x91: {  	s4 =	simm.s32 $0xA;
	s5 =	simm.s32 $0x10;
	s15 =	sld [smem:$0x3FC6]  }
0x92: {  	[smem:s5], [sflag:s4] =	dma.local [hbm:s2], $0x1  }
0x93: {  	_ =	swait.eq [sflag:s4], $0x1  }
0x94: {  	[sflag:s4] =	ssyncset.done $0x0  }
0x95: {  	[sflag:s4] =	ssyncadd.s32 $0xFFFFFFFF  }
0x96: {  	s16 =	sld [smem:$0x10];
	(tm) =	ssettm $0x1  }
0x97: {  	s17 =	sld [smem:$0x3FFB];
	_ =	sdelay $0x3  }
0x98: {  	_ =	strace s17  }
0x99: {  	s4 =	sld [smem:$0x3FFC];
	_ =	sdelay $0x3  }
0x9a: {  	_ =	strace s4  }
0x9b: {  	s4 =	sld [smem:$0x3FFD];
	_ =	sdelay $0x3  }
0x9c: {  	_ =	strace s4  }
0x9d: {  	_ =	strace $0x8FFFFFFF  }
0x9e: {  	s18 =	sld [smem:$0x3FDB];
	_ =	sdelay $0x1  }
0x9f: {  	s19 =	simm.s32 $_scs_section_size  }
0xa0: {  	s6 =	simm.s32 $_size__tile_overlayer_lowered;
	s7 =	simm.s32 $_tile_overlayer_lowered  }
0xa1: {  	s22 =	simm.s32 $0x1BFF;
	s21 =	sshll.u32 s7, $0x1;
	s4 =	sadd.s32 s19, s18  }
0xa2: {  	s8 =	simm.s32 $0x0;
	s20 =	sshll.u32 s6, $0x1;
	s6 =	sadd.s32 s21, s4  }
0xa3: {  	[timem:s8], [sflag:s22] =	dma.local [hbm:s6], s20  }
0xa4: {  	_ =	swait.ge [sflag:s22], s20  }
0xa5: {  	s5 =	ssub.s32 $0x0, s20;
	[sflag:s22] =	ssyncset.done $0x0  }
0xa6: {  	[sflag:s22] =	ssyncadd.s32 s5;
	_ =	sdelay $0x1  }
0xa7: {  	s23 =	simm.s32 $0x1B8B  }
0xa8: {  	_ =	swait.ge [sflag:s23], $0x1  }
0xa9: {  	[sflag:s23] =	ssyncset.done $0x0  }
0xaa: {  	s25 =	simm.s32 $0x1B8E;
	s24 =	sld [smem:$0x3FFE];
	[sflag:s23] =	ssyncadd.s32 $0xFFFFFFFF  }
0xab: {  	s26 =	simm.s32 $execute0_lowered;
	[smem:$0x3FD2] =	sst s25  }
0xac: {  	s6 =	sshll.u32 s26, $0x1;
	_ =	strace $0x8000004C;
	[dreg:$0x1] =	wrdreg $0xFFFFFFFF  }
0xad: {  	s28 =	simm.s32 $_size_execute0_lowered;
	s4 =	sadd.s32 s4, s6;
	[dreg:$0x0] =	wrdreg $0x0  }
0xae: {  	s6 =	sshll.u32 s28, $0x1;
	[dreg:$0x2] =	wrdreg s4  }
0xaf: {  	[dreg:$0x3] =	wrdreg s6  }
0xb0: {  	[dreg:$0x4] =	wrdreg $0xC0  }
0xb1: {  	_ =	task [dreg:s8], $0x5FFFF  }
0xb2: {  	[dreg:$0x1] =	wrdreg $0xFFFFFFFF  }
0xb3: {  	[dreg:$0x0] =	wrdreg $0x60  }
0xb4: {  	[dreg:$0x2] =	wrdreg s15  }
0xb5: {  	[dreg:$0x3] =	wrdreg s16  }
0xb6: {  	[dreg:$0x4] =	wrdreg s24  }
0xb7: {  	[dreg:$0x5] =	wrdreg $0x9  }
0xb8: {  	_ =	task.clear_ibuf [dreg:s8], $0x6FFFF;
	_ =	strace $0x9000004C  }
0xb9: {  	s29 =	simm.s32 $0x9;
	_ =	strace $0x8000004E  }
0xba: {  	_ =	swait.ge [sflag:s29], $0x1  }
0xbb: {  	[sflag:s29] =	ssyncadd.s32 $0xFFFFFFFF  }
0xbc: {  	_ =	strace $0x9000004E  }
0xbd: {  	_ =	sfence  }
0xbe: {  	s30 =	sld [smem:$0x0];
	_ =	sdelay $0x2  }
0xbf: {  	s31 =	sshll.u32 s1, $0xD;
	s1 =	sshrl.u32 s1, $0x2  }
0xc0: {  	s3 =	sand.u32 $0x4000, s31;
	s1 =	sadd.s32 s1, s30  }
0xc1: {  	s0 =	sor.u32 s3, s0;
	s1 =	sshll.u32 s1, $0x11  }
0xc2: {  	s0 =	sor.u32 s1, s0  }
0xc3: {  	s0 =	sadd.s32 $0x8F2B, s0  }
0xc4: {  	[sflag:s0] =	ssyncadd.remote.s32 $0x1  }
0xc5: {  	_ =	sfence.sel $0xFFFF  }
0xc6: {  	[dreg:$0x0] =	wrdreg $0xFFFFFFFF;
	(pc) =	sbr.abs _section_cstart, $3  }
0xc7: {  	[dreg:$0x1] =	wrdreg $0xFFFFFFFF  }
0xc8: {  	_ =	task.clear_ibuf [dreg:s8], $0x2FFFF;
	_ =	strace $0x9FFFFFFF  }
0xc9: {  	(tm) =	ssettm $0x7FFFFFFF  }
tec
execute0_lowered:
.L_overlay_start_1:
0x0: {  	(tag) =	ssettag $0x1  }
0x1: {  	s1 =	rddreg [dreg:$0x0]  }
0x2: {  	s4 =	rddreg [dreg:$0x1]  }
0x3: {  	s5 =	rddreg [dreg:$0x2]  }
0x4: {  	s0 =	rddreg [dreg:$0x3];
	s6 =	srdreg.scid  }
0x5: {  	s3 =	simm.s32 $0x0;
	s2 =	stileid.u32;
	s10 =	simm.s32 $0x1080  }
0x6: {  	s11 =	simm.s32 $0x1880;
	s12 =	simm.s32 $0x2080;
	s13 =	simm.s32 $0x2880  }
0x7: {  	s14 =	simm.s32 $0x3080;
	s15 =	simm.s32 $0x3880;
	s6 =	sand.u32 $0x1, s6  }
0x8: {  	s16 =	simm.s32 $0x1;
	s7 =	sshll.u32 s2, $0x7;
	s8 =	sshll.u32 s6, $0x6  }
0x9: {  	[smem:$0x7FF] =	sst s3;
	s6 =	ssub.s32 $0x2, s6;
	s7 =	sor.u32 s8, s7  }
0xa: {  	_ =	strace $0x8000004D;
	s9 =	sshrl.u32 s6, $0x1;
	s8 =	sshll.u32 s7, $0x5  }
0xb: {  	v2 =	vlaneseq.u32;
	s7 =	sshrl.u32 s7, $0x3;
	s6 =	ssub.s32 s6, s9;
	s9 =	simm.s32 $0x880  }
0xc: {  	vm0 =	vmmov $0xffff;
	v1 =	vshrl.u32 v2, $0x3;
	s5 =	sadd.s32 s8, s5;
	s4 =	sadd.s32 s4, s7;
	s6 =	smax.u32 s6, $0x1  }
0xd: {  	v0 =	vand.u32 $0x7, v2;
	v2 =	vor.u32 $0x8, v2;
	v1 =	vmul.u32 $0x8, v1;
	s7 =	simm.s32 $0x2;
	s8 =	simm.s32 $0x80;
	s5 =	sadd.s32 $0xE00, s5  }
.LBB2_1:
0xe: {  	[tilespmem:s3], [sflag:$0x2] =	stream.linear.gather [hbm4b:s4+s3], $0x40, $0x38;
	[tilespmem:$0x4080] =	vst v63  }
0xf: {  	_ =	swait.ge [sflag:s7], $0x40  }
0x10: {  	[sflag:s7] =	ssyncset.done $0x0  }
0x11: {  	[sflag:s7] =	ssyncadd.s32 $0xFFFFFFC0  }
0x12: {  	v3 =	vld [tilespmem:$0x0];
	_ =	sdelay $0x4  }
0x13: {  	v4 =	vshll.u32 v3, $0x1  }
0x14: {  	v3 =	vand.u32 $0x7, v3;
	v4 =	vand.u32 $0xFFFFFFF0, v4  }
0x15: {  	v3 =	vor.u32 v3, v4  }
0x16: {  	v4 =	vperm.xlane v3, v0;
	_ =	sdelay $0x1  }
0x17: {  	v3 =	vperm.xlane v3, v2;
	v4 =	vadd.s32 v1, v4;
	_ =	sdelay $0x1  }
0x18: {  	v3 =	vadd.s32 v1, v3;
	_ =	sdelay $0x2  }
0x19: {  	[tilespmem:s8], [sflag:$0x1] =	stream.indirect_vreg.gather [hbm4b:s1+s3], $0x80, v4, vm0, $0xb8;
	[tilespmem:$0x4080] =	vst v63  }
0x1a: {  	_ = 	snop  }
0x1b: {  	[tilespmem:s9], [sflag:$0x1] =	stream.indirect_vreg.gather [hbm4b:s1+s3], $0x80, v3, vm0, $0xb8;
	[tilespmem:$0x4080] =	vst v63  }
0x1c: {  	v3 =	vld [tilespmem:$0x10];
	_ =	sdelay $0x4  }
0x1d: {  	v61 =	vshll.u32 v3, $0x1  }
0x1e: {  	v3 =	vand.u32 $0x7, v3;
	v4 =	vand.u32 $0xFFFFFFF0, v61  }
0x1f: {  	v3 =	vor.u32 v3, v4  }
0x20: {  	v4 =	vperm.xlane v3, v0;
	_ =	sdelay $0x1  }
0x21: {  	v3 =	vperm.xlane v3, v2;
	v4 =	vadd.s32 v1, v4;
	_ =	sdelay $0x1  }
0x22: {  	v3 =	vadd.s32 v1, v3;
	_ =	sdelay $0x2  }
0x23: {  	[tilespmem:s10], [sflag:$0x1] =	stream.indirect_vreg.gather [hbm4b:s1+s3], $0x80, v4, vm0, $0xb8;
	[tilespmem:$0x4080] =	vst v63  }
0x24: {  	_ = 	snop  }
0x25: {  	[tilespmem:s11], [sflag:$0x1] =	stream.indirect_vreg.gather [hbm4b:s1+s3], $0x80, v3, vm0, $0xb8;
	[tilespmem:$0x4080] =	vst v63  }
0x26: {  	v3 =	vld [tilespmem:$0x20];
	_ =	sdelay $0x4  }
0x27: {  	v62 =	vshll.u32 v3, $0x1  }
0x28: {  	v3 =	vand.u32 $0x7, v3;
	v4 =	vand.u32 $0xFFFFFFF0, v62  }
0x29: {  	v3 =	vor.u32 v3, v4  }
0x2a: {  	v4 =	vperm.xlane v3, v0;
	_ =	sdelay $0x1  }
0x2b: {  	v3 =	vperm.xlane v3, v2;
	v4 =	vadd.s32 v1, v4;
	_ =	sdelay $0x1  }
0x2c: {  	v3 =	vadd.s32 v1, v3;
	_ =	sdelay $0x2  }
0x2d: {  	[tilespmem:s12], [sflag:$0x1] =	stream.indirect_vreg.gather [hbm4b:s1+s3], $0x80, v4, vm0, $0xb8;
	[tilespmem:$0x4080] =	vst v63  }
0x2e: {  	_ = 	snop  }
0x2f: {  	[tilespmem:s13], [sflag:$0x1] =	stream.indirect_vreg.gather [hbm4b:s1+s3], $0x80, v3, vm0, $0xb8;
	[tilespmem:$0x4080] =	vst v63  }
0x30: {  	v3 =	vld [tilespmem:$0x30];
	_ =	sdelay $0x4  }
0x31: {  	v63 =	vshll.u32 v3, $0x1  }
0x32: {  	v3 =	vand.u32 $0x7, v3;
	v4 =	vand.u32 $0xFFFFFFF0, v63  }
0x33: {  	v3 =	vor.u32 v3, v4  }
0x34: {  	v4 =	vperm.xlane v3, v0;
	_ =	sdelay $0x1  }
0x35: {  	v3 =	vperm.xlane v3, v2;
	v4 =	vadd.s32 v1, v4;
	_ =	sdelay $0x1  }
0x36: {  	v3 =	vadd.s32 v1, v3;
	_ =	sdelay $0x2  }
0x37: {  	[tilespmem:s14], [sflag:$0x1] =	stream.indirect_vreg.gather [hbm4b:s1+s3], $0x80, v4, vm0, $0xb8;
	[tilespmem:$0x4080] =	vst v63  }
0x38: {  	_ = 	snop  }
0x39: {  	[tilespmem:s15], [sflag:$0x1] =	stream.indirect_vreg.gather [hbm4b:s1+s3], $0x80, v3, vm0, $0xb8;
	[tilespmem:$0x4080] =	vst v63  }
0x3a: {  	_ =	swait.ge [sflag:s16], $0x4000  }
0x3b: {  	p0 =	sne.s32 s6, $0x1;
	[sflag:s16] =	ssyncset.done $0x0  }
.Ltmp0:
0x3c: {  	[sflag:s16] =	ssyncadd.s32 $0xFFFFC000;
	(pc) =	sbr.rel @p0 .LBB2_1-.Ltmp0, $4  }
0x3d: {  	[hbm4b:s5+s3] =	stream.linear.scatter [tilespmem:s8], [sflag:$0x2], $0x4000, $0x38;
	[tilespmem:$0x4080] =	vst v63  }
0x3e: {  	_ =	swait.ge [sflag:s7], $0x4000  }
0x3f: {  	[sflag:s7] =	ssyncset.done $0x0  }
0x40: {  	s6 =	sadd.s32 $0xFFFFFFFF, s6;
	[sflag:s7] =	ssyncadd.s32 $0xFFFFC000  }
0x41: {  	_ =	sfence.sel $0x180000  }
0x42: {  	[bflag:$0x0] =	sbarrier.arrive $0xFFFF  }
0x43: {  	p0 =	sne.s32 s2, $0x0;
	_ =	strace $0x9000004D  }
0x44: {  	s0 =	sadd.s32 @!p0 $0x100000, s0;
	[bflag:$0x2] =	sbarrier.arrive $0xFFFF  }
0x45: {  	[sflag:s0] =	ssyncadd.tile.s32 @!p0 $0x1;
	_ =	shalt  }
.Lfunc_end2:
_tile_overlayer_lowered:
.L_overlay_start_2:
0x46: {  	(tag) =	ssettag $0x2  }
0x47: {  	s0 =	rddreg [dreg:$0x0];
	s2 =	stileid.u32  }
0x48: {  	s1 =	rddreg [dreg:$0x1];
	p0 =	sne.s32 s2, $0x0  }
0x49: {  	s3 =	rddreg [dreg:$0x2];
	[bflag:$0x3] =	sbarrier.arrive $0xFFFF;
	s2 =	simm.s32 @!p0 $0x1C02  }
0x4a: {  	[timem:s3], [sflag:s2] =	dma.local @!p0 [hbm:s0], s1  }
0x4b: {  	s0 =	simm.s32 @!p0 $0x2  }
0x4c: {  	_ =	swait.ge @!p0 [sflag:s0], s1  }
0x4d: {  	s1 =	ssub.s32 @!p0 $0x0, s1;
	[sflag:s0] =	ssyncset.done @!p0 $0x0  }
0x4e: {  	[sflag:s0] =	ssyncadd.s32 @!p0 s1  }
0x4f: {  	[bflag:$0x3] =	sbarrier.arrive $0xFFFF  }
0x50: {  	_ =	shalt  }

// kernel: kernel.9.cloned.1.call-start
scs
__scs_entry_jumppad:
0x0: {  	(pc) =	sbr.rel $0x88, $3  }
0x1: {  	(tag) =	ssettag $0x0;
	lr =	simm.s32 $0x1  }
0x2: {  	[smem:$0x3F9D] =	sst lr;
	_ =	strace $0xD0000000  }
0x3: {  	_ = 	snop  }
0x4: {  	_ = 	snop  }
0x5: {  	_ = 	snop  }
0x6: {  	_ = 	snop  }
0x7: {  	_ = 	snop  }
__scs_overlays_trampoline_lowered:
0x8: {  	[smem:$0x3FAC] =	sst s0  }
0x9: {  	[smem:$0x3FAD] =	sst s1  }
0xa: {  	[smem:$0x3FAE] =	sst s2  }
0xb: {  	[smem:$0x3FAF] =	sst s3  }
0xc: {  	[smem:$0x3FB0] =	sst s4  }
0xd: {  	[smem:$0x3FB1] =	sst s5  }
0xe: {  	[smem:$0x3FB2] =	sst s6  }
0xf: {  	[smem:$0x3FB3] =	sst s7  }
0x10: {  	[smem:$0x3FB4] =	sst s8  }
0x11: {  	[smem:$0x3FB5] =	sst s9;
	s0 =	simm.s32 @!p0 $0x0  }
0x12: {  	s1 =	sld [smem:$0x3F9B];
	s0 =	simm.s32 @p0 $0x1  }
0x13: {  	[smem:$0x3FB6] =	sst s0;
	s0 =	simm.s32 @!p1 $0x0  }
0x14: {  	s2 =	sld [smem:$0x3F9A];
	s0 =	simm.s32 @p1 $0x1  }
0x15: {  	[smem:$0x3FB7] =	sst s0;
	s0 =	simm.s32 @!p2 $0x0  }
0x16: {  	s3 =	sld [smem:$0x3FDB];
	s0 =	simm.s32 @p2 $0x1  }
0x17: {  	s4 =	simm.s32 $0x1BF5;
	[smem:$0x3FB9] =	sst s0  }
0x18: {  	s0 =	sld [smem:$0x3F9C];
	_ =	swait.ge [sflag:s4], $0x0  }
0x19: {  	s7 =	sld [smem:$0x3F9D]  }
0x1a: {  	s8 =	sadd.s32 $0xFFFFE003, lr  }
0x1b: {  	s9 =	sadd.s32 $0xFFFFFEF7, lr;
	s5 =	simm.s32 $0xFFFFFFFF;
	p2 =	slt.u32 s8, $0xFFFFF086  }
0x1c: {  	p1 =	slt.u32 s9, $0xF7A;
	s5 =	simm.s32 @!p2 $0x0  }
0x1d: {  	s5 =	simm.s32 @p1 $0x1;
	p0 =	seq.s32 s7, s2  }
0x1e: {  	s7 =	smul.u32 @!p0 $0xF7A, s2;
	p2 =	seq.s32 @!p0 s5, $0x0  }
0x1f: {  	s9 =	smul.u32 $0xF7A, s1;
	s8 =	simm.s32 @!p0 $0x1BF5;
	p2 =	por !p2, p0  }
0x20: {  	[sflag:s8] =	ssyncset.s32 @!p0 $0xFFFFF086;
	s6 =	sadd.s32 @!p0 s3, s7;
	s7 =	simm.s32 @!p0 $0x108  }
0x21: {  	s3 =	sadd.s32 s3, s9;
	s6 =	sadd.s32 @!p0 $0x88, s6;
	s7 =	simm.s32 @p2 $0x1082  }
0x22: {  	[simem:s7], [sflag:s8] =	dma.local @!p0 [hbm:s6], $0xF7A  }
0x23: {  	s9 =	sor.u32 $0xD0000000, s2;
	s6 =	simm.s32 $0x108;
	_ =	swait.ge @!p0 [sflag:s8], $0x0  }
0x24: {  	s3 =	sadd.s32 $0x88, s3;
	s6 =	simm.s32 @!p1 $0x1082;
	[sflag:s4] =	ssyncset.s32 $0xFFFFF086  }
0x25: {  	[simem:s6], [sflag:s4] =	dma.local [hbm:s3], $0xF7A  }
0x26: {  	[smem:$0x3F9D] =	sst s1;
	(tag) =	ssettag s2;
	_ =	strace s9  }
0x27: {  	s1 =	sld [smem:$0x3FAD]  }
0x28: {  	s2 =	sld [smem:$0x3FAE]  }
0x29: {  	s4 =	sld [smem:$0x3FB0]  }
0x2a: {  	p0 =	seq.s32 s5, $0x0;
	s5 =	sld [smem:$0x3FB1]  }
0x2b: {  	s6 =	sld [smem:$0x3FB2]  }
0x2c: {  	s7 =	sld [smem:$0x3FB3]  }
0x2d: {  	s3 =	simm.s32 $0x108;
	s8 =	sld [smem:$0x3FB4]  }
0x2e: {  	s3 =	simm.s32 @!p0 $0x1082;
	s9 =	sld [smem:$0x3FB5]  }
0x2f: {  	lr =	sadd.s32 s0, s3;
	s0 =	sld [smem:$0x3FAC]  }
0x30: {  	s3 =	sld [smem:$0x3FAF]  }
0x31: {  	[smem:$0x3FB8] =	sst s10  }
0x32: {  	s10 =	sld [smem:$0x3FB6];
	_ =	sdelay $0x3  }
0x33: {  	p0 =	seq.s32 s10, $0x1;
	s10 =	sld [smem:$0x3FB8];
	_ =	sdelay $0x3  }
0x34: {  	[smem:$0x3FB8] =	sst s10  }
0x35: {  	s10 =	sld [smem:$0x3FB7];
	_ =	sdelay $0x3  }
0x36: {  	p1 =	seq.s32 s10, $0x1;
	s10 =	sld [smem:$0x3FB8];
	_ =	sdelay $0x3  }
0x37: {  	[smem:$0x3FB8] =	sst s10  }
0x38: {  	s10 =	sld [smem:$0x3FB9]  }
0x39: {  	_ = 	snop;
	(pc) =	sbr.ind lr, $3  }
0x3a: {  	_ = 	snop  }
0x3b: {  	_ = 	snop  }
0x3c: {  	p2 =	seq.s32 s10, $0x1;
	s10 =	sld [smem:$0x3FB8]  }
0x3d: {  	_ =	shalt  }
0x3e: {  	_ =	shalt  }
0x3f: {  	_ =	shalt  }
0x40: {  	_ =	shalt  }
0x41: {  	_ =	shalt  }
0x42: {  	_ =	shalt  }
0x43: {  	_ =	shalt  }
0x44: {  	_ =	shalt  }
0x45: {  	_ =	shalt  }
0x46: {  	_ =	shalt  }
0x47: {  	_ =	shalt  }
0x48: {  	_ =	shalt  }
0x49: {  	_ =	shalt  }
0x4a: {  	_ =	shalt  }
0x4b: {  	_ =	shalt  }
0x4c: {  	_ =	shalt  }
0x4d: {  	_ =	shalt  }
0x4e: {  	_ =	shalt  }
0x4f: {  	_ =	shalt  }
0x50: {  	_ =	shalt  }
0x51: {  	_ =	shalt  }
0x52: {  	_ =	shalt  }
0x53: {  	_ =	shalt  }
0x54: {  	_ =	shalt  }
0x55: {  	_ =	shalt  }
0x56: {  	_ =	shalt  }
0x57: {  	_ =	shalt  }
0x58: {  	_ =	shalt  }
0x59: {  	_ =	shalt  }
0x5a: {  	_ =	shalt  }
0x5b: {  	_ =	shalt  }
0x5c: {  	_ =	shalt  }
0x5d: {  	_ =	shalt  }
0x5e: {  	_ =	shalt  }
0x5f: {  	_ =	shalt  }
0x60: {  	_ =	shalt  }
0x61: {  	_ =	shalt  }
0x62: {  	_ =	shalt  }
0x63: {  	_ =	shalt  }
0x64: {  	_ =	shalt  }
0x65: {  	_ =	shalt  }
0x66: {  	_ =	shalt  }
0x67: {  	_ =	shalt  }
0x68: {  	_ =	shalt  }
0x69: {  	_ =	shalt  }
0x6a: {  	_ =	shalt  }
0x6b: {  	_ =	shalt  }
0x6c: {  	_ =	shalt  }
0x6d: {  	_ =	shalt  }
0x6e: {  	_ =	shalt  }
0x6f: {  	_ =	shalt  }
0x70: {  	_ =	shalt  }
0x71: {  	_ =	shalt  }
0x72: {  	_ =	shalt  }
0x73: {  	_ =	shalt  }
0x74: {  	_ =	shalt  }
0x75: {  	_ =	shalt  }
0x76: {  	_ =	shalt  }
0x77: {  	_ =	shalt  }
0x78: {  	_ =	shalt  }
0x79: {  	_ =	shalt  }
0x7a: {  	_ =	shalt  }
0x7b: {  	_ =	shalt  }
0x7c: {  	_ =	shalt  }
0x7d: {  	_ =	shalt  }
0x7e: {  	_ =	shalt  }
0x7f: {  	_ =	shalt  }
0x80: {  	_ =	shalt  }
0x81: {  	_ =	shalt  }
0x82: {  	_ =	shalt  }
0x83: {  	_ =	shalt  }
0x84: {  	_ =	shalt  }
0x85: {  	_ =	shalt  }
0x86: {  	_ =	shalt  }
0x87: {  	_ =	shalt  }
.Lfunc_end0:
.L_simem_size_0:
called_computation_lowered:
.L_overlay_start_0:
0x88: {  	s2 =	sld [smem:$0x3FD9]  }
0x89: {  	s3 =	sld [smem:$0x3FFE];
	_ =	sdelay $0x1  }
0x8a: {  	s1 =	srdreg.scid  }
0x8b: {  	s0 =	sand.u32 $0x1, s1  }
0x8c: {  	s14 =	sshll.u32 s0, $0xA;
	s2 =	sadd.s32 s3, s2  }
0x8d: {  	s2 =	sadd.s32 s2, s14  }
0x8e: {  	[smem:$0x3FC4] =	sst s2  }
0x8f: {  	_ = 	snop  }
0x90: {  	s2 =	sld [smem:$0x3FD0];
	_ =	sdelay $0x2  }
0x91: {  	s4 =	simm.s32 $0xA;
	s5 =	simm.s32 $0x10;
	s15 =	sld [smem:$0x3FC6]  }
0x92: {  	[smem:s5], [sflag:s4] =	dma.local [hbm:s2], $0x1  }
0x93: {  	_ =	swait.eq [sflag:s4], $0x1  }
0x94: {  	[sflag:s4] =	ssyncset.done $0x0  }
0x95: {  	[sflag:s4] =	ssyncadd.s32 $0xFFFFFFFF  }
0x96: {  	s16 =	sld [smem:$0x10];
	(tm) =	ssettm $0x1  }
0x97: {  	s17 =	sld [smem:$0x3FFB];
	_ =	sdelay $0x3  }
0x98: {  	_ =	strace s17  }
0x99: {  	s4 =	sld [smem:$0x3FFC];
	_ =	sdelay $0x3  }
0x9a: {  	_ =	strace s4  }
0x9b: {  	s4 =	sld [smem:$0x3FFD];
	_ =	sdelay $0x3  }
0x9c: {  	_ =	strace s4  }
0x9d: {  	_ =	strace $0x8FFFFFFF  }
0x9e: {  	s18 =	sld [smem:$0x3FDB];
	_ =	sdelay $0x1  }
0x9f: {  	s19 =	simm.s32 $_scs_section_size  }
0xa0: {  	s6 =	simm.s32 $_size__tile_overlayer_lowered;
	s7 =	simm.s32 $_tile_overlayer_lowered  }
0xa1: {  	s22 =	simm.s32 $0x1BFF;
	s21 =	sshll.u32 s7, $0x1;
	s4 =	sadd.s32 s19, s18  }
0xa2: {  	s8 =	simm.s32 $0x0;
	s20 =	sshll.u32 s6, $0x1;
	s6 =	sadd.s32 s21, s4  }
0xa3: {  	[timem:s8], [sflag:s22] =	dma.local [hbm:s6], s20  }
0xa4: {  	_ =	swait.ge [sflag:s22], s20  }
0xa5: {  	s5 =	ssub.s32 $0x0, s20;
	[sflag:s22] =	ssyncset.done $0x0  }
0xa6: {  	[sflag:s22] =	ssyncadd.s32 s5;
	_ =	sdelay $0x1  }
0xa7: {  	s23 =	simm.s32 $0x1B8B  }
0xa8: {  	_ =	swait.ge [sflag:s23], $0x1  }
0xa9: {  	[sflag:s23] =	ssyncset.done $0x0  }
0xaa: {  	s25 =	simm.s32 $0x1B8E;
	s24 =	sld [smem:$0x3FFE];
	[sflag:s23] =	ssyncadd.s32 $0xFFFFFFFF  }
0xab: {  	s26 =	simm.s32 $execute0_lowered;
	[smem:$0x3FD2] =	sst s25  }
0xac: {  	s6 =	sshll.u32 s26, $0x1;
	_ =	strace $0x80000046;
	[dreg:$0x1] =	wrdreg $0xFFFFFFFF  }
0xad: {  	s28 =	simm.s32 $_size_execute0_lowered;
	s4 =	sadd.s32 s4, s6;
	[dreg:$0x0] =	wrdreg $0x0  }
0xae: {  	s6 =	sshll.u32 s28, $0x1;
	[dreg:$0x2] =	wrdreg s4  }
0xaf: {  	[dreg:$0x3] =	wrdreg s6  }
0xb0: {  	[dreg:$0x4] =	wrdreg $0xC0  }
0xb1: {  	_ =	task [dreg:s8], $0x5FFFF  }
0xb2: {  	[dreg:$0x1] =	wrdreg $0xFFFFFFFF  }
0xb3: {  	[dreg:$0x0] =	wrdreg $0x60  }
0xb4: {  	[dreg:$0x2] =	wrdreg s15  }
0xb5: {  	[dreg:$0x3] =	wrdreg s16  }
0xb6: {  	[dreg:$0x4] =	wrdreg s24  }
0xb7: {  	[dreg:$0x5] =	wrdreg $0x9  }
0xb8: {  	_ =	task.clear_ibuf [dreg:s8], $0x6FFFF;
	_ =	strace $0x90000046  }
0xb9: {  	s29 =	simm.s32 $0x9;
	_ =	strace $0x80000048  }
0xba: {  	_ =	swait.ge [sflag:s29], $0x1  }
0xbb: {  	[sflag:s29] =	ssyncadd.s32 $0xFFFFFFFF  }
0xbc: {  	_ =	strace $0x90000048  }
0xbd: {  	_ =	sfence  }
0xbe: {  	s30 =	sld [smem:$0x0];
	_ =	sdelay $0x2  }
0xbf: {  	s31 =	sshll.u32 s1, $0xD;
	s1 =	sshrl.u32 s1, $0x2  }
0xc0: {  	s3 =	sand.u32 $0x4000, s31;
	s1 =	sadd.s32 s1, s30  }
0xc1: {  	s0 =	sor.u32 s3, s0;
	s1 =	sshll.u32 s1, $0x11  }
0xc2: {  	s0 =	sor.u32 s1, s0  }
0xc3: {  	s0 =	sadd.s32 $0x8F2B, s0  }
0xc4: {  	[sflag:s0] =	ssyncadd.remote.s32 $0x1  }
0xc5: {  	_ =	sfence.sel $0xFFFF  }
0xc6: {  	[dreg:$0x0] =	wrdreg $0xFFFFFFFF;
	(pc) =	sbr.abs _section_cstart, $3  }
0xc7: {  	[dreg:$0x1] =	wrdreg $0xFFFFFFFF  }
0xc8: {  	_ =	task.clear_ibuf [dreg:s8], $0x2FFFF;
	_ =	strace $0x9FFFFFFF  }
0xc9: {  	(tm) =	ssettm $0x7FFFFFFF  }
tec
execute0_lowered:
.L_overlay_start_1:
0x0: {  	(tag) =	ssettag $0x1  }
0x1: {  	s1 =	rddreg [dreg:$0x0]  }
0x2: {  	s4 =	rddreg [dreg:$0x1]  }
0x3: {  	s5 =	rddreg [dreg:$0x2]  }
0x4: {  	s0 =	rddreg [dreg:$0x3];
	s6 =	srdreg.scid  }
0x5: {  	s3 =	simm.s32 $0x0;
	s2 =	stileid.u32;
	s10 =	simm.s32 $0x1080  }
0x6: {  	s11 =	simm.s32 $0x1880;
	s12 =	simm.s32 $0x2080;
	s13 =	simm.s32 $0x2880  }
0x7: {  	s14 =	simm.s32 $0x3080;
	s15 =	simm.s32 $0x3880;
	s6 =	sand.u32 $0x1, s6  }
0x8: {  	s16 =	simm.s32 $0x1;
	s7 =	sshll.u32 s2, $0x7;
	s8 =	sshll.u32 s6, $0x6  }
0x9: {  	[smem:$0x7FF] =	sst s3;
	s6 =	ssub.s32 $0x2, s6;
	s7 =	sor.u32 s8, s7  }
0xa: {  	_ =	strace $0x80000047;
	s9 =	sshrl.u32 s6, $0x1;
	s8 =	sshll.u32 s7, $0x5  }
0xb: {  	v2 =	vlaneseq.u32;
	s7 =	sshrl.u32 s7, $0x3;
	s6 =	ssub.s32 s6, s9;
	s9 =	simm.s32 $0x880  }
0xc: {  	vm0 =	vmmov $0xffff;
	v1 =	vshrl.u32 v2, $0x3;
	s5 =	sadd.s32 s8, s5;
	s4 =	sadd.s32 s4, s7;
	s6 =	smax.u32 s6, $0x1  }
0xd: {  	v0 =	vand.u32 $0x7, v2;
	v2 =	vor.u32 $0x8, v2;
	v1 =	vmul.u32 $0x8, v1;
	s7 =	simm.s32 $0x2;
	s8 =	simm.s32 $0x80;
	s5 =	sadd.s32 $0xE00, s5  }
.LBB2_1:
0xe: {  	[tilespmem:s3], [sflag:$0x2] =	stream.linear.gather [hbm4b:s4+s3], $0x40, $0x38;
	[tilespmem:$0x4080] =	vst v63  }
0xf: {  	_ =	swait.ge [sflag:s7], $0x40  }
0x10: {  	[sflag:s7] =	ssyncset.done $0x0  }
0x11: {  	[sflag:s7] =	ssyncadd.s32 $0xFFFFFFC0  }
0x12: {  	v3 =	vld [tilespmem:$0x0];
	_ =	sdelay $0x4  }
0x13: {  	v4 =	vshll.u32 v3, $0x1  }
0x14: {  	v3 =	vand.u32 $0x7, v3;
	v4 =	vand.u32 $0xFFFFFFF0, v4  }
0x15: {  	v3 =	vor.u32 v3, v4  }
0x16: {  	v4 =	vperm.xlane v3, v0;
	_ =	sdelay $0x1  }
0x17: {  	v3 =	vperm.xlane v3, v2;
	v4 =	vadd.s32 v1, v4;
	_ =	sdelay $0x1  }
0x18: {  	v3 =	vadd.s32 v1, v3;
	_ =	sdelay $0x2  }
0x19: {  	[tilespmem:s8], [sflag:$0x1] =	stream.indirect_vreg.gather [hbm4b:s1+s3], $0x80, v4, vm0, $0xb8;
	[tilespmem:$0x4080] =	vst v63  }
0x1a: {  	_ = 	snop  }
0x1b: {  	[tilespmem:s9], [sflag:$0x1] =	stream.indirect_vreg.gather [hbm4b:s1+s3], $0x80, v3, vm0, $0xb8;
	[tilespmem:$0x4080] =	vst v63  }
0x1c: {  	v3 =	vld [tilespmem:$0x10];
	_ =	sdelay $0x4  }
0x1d: {  	v61 =	vshll.u32 v3, $0x1  }
0x1e: {  	v3 =	vand.u32 $0x7, v3;
	v4 =	vand.u32 $0xFFFFFFF0, v61  }
0x1f: {  	v3 =	vor.u32 v3, v4  }
0x20: {  	v4 =	vperm.xlane v3, v0;
	_ =	sdelay $0x1  }
0x21: {  	v3 =	vperm.xlane v3, v2;
	v4 =	vadd.s32 v1, v4;
	_ =	sdelay $0x1  }
0x22: {  	v3 =	vadd.s32 v1, v3;
	_ =	sdelay $0x2  }
0x23: {  	[tilespmem:s10], [sflag:$0x1] =	stream.indirect_vreg.gather [hbm4b:s1+s3], $0x80, v4, vm0, $0xb8;
	[tilespmem:$0x4080] =	vst v63  }
0x24: {  	_ = 	snop  }
0x25: {  	[tilespmem:s11], [sflag:$0x1] =	stream.indirect_vreg.gather [hbm4b:s1+s3], $0x80, v3, vm0, $0xb8;
	[tilespmem:$0x4080] =	vst v63  }
0x26: {  	v3 =	vld [tilespmem:$0x20];
	_ =	sdelay $0x4  }
0x27: {  	v62 =	vshll.u32 v3, $0x1  }
0x28: {  	v3 =	vand.u32 $0x7, v3;
	v4 =	vand.u32 $0xFFFFFFF0, v62  }
0x29: {  	v3 =	vor.u32 v3, v4  }
0x2a: {  	v4 =	vperm.xlane v3, v0;
	_ =	sdelay $0x1  }
0x2b: {  	v3 =	vperm.xlane v3, v2;
	v4 =	vadd.s32 v1, v4;
	_ =	sdelay $0x1  }
0x2c: {  	v3 =	vadd.s32 v1, v3;
	_ =	sdelay $0x2  }
0x2d: {  	[tilespmem:s12], [sflag:$0x1] =	stream.indirect_vreg.gather [hbm4b:s1+s3], $0x80, v4, vm0, $0xb8;
	[tilespmem:$0x4080] =	vst v63  }
0x2e: {  	_ = 	snop  }
0x2f: {  	[tilespmem:s13], [sflag:$0x1] =	stream.indirect_vreg.gather [hbm4b:s1+s3], $0x80, v3, vm0, $0xb8;
	[tilespmem:$0x4080] =	vst v63  }
0x30: {  	v3 =	vld [tilespmem:$0x30];
	_ =	sdelay $0x4  }
0x31: {  	v63 =	vshll.u32 v3, $0x1  }
0x32: {  	v3 =	vand.u32 $0x7, v3;
	v4 =	vand.u32 $0xFFFFFFF0, v63  }
0x33: {  	v3 =	vor.u32 v3, v4  }
0x34: {  	v4 =	vperm.xlane v3, v0;
	_ =	sdelay $0x1  }
0x35: {  	v3 =	vperm.xlane v3, v2;
	v4 =	vadd.s32 v1, v4;
	_ =	sdelay $0x1  }
0x36: {  	v3 =	vadd.s32 v1, v3;
	_ =	sdelay $0x2  }
0x37: {  	[tilespmem:s14], [sflag:$0x1] =	stream.indirect_vreg.gather [hbm4b:s1+s3], $0x80, v4, vm0, $0xb8;
	[tilespmem:$0x4080] =	vst v63  }
0x38: {  	_ = 	snop  }
0x39: {  	[tilespmem:s15], [sflag:$0x1] =	stream.indirect_vreg.gather [hbm4b:s1+s3], $0x80, v3, vm0, $0xb8;
	[tilespmem:$0x4080] =	vst v63  }
0x3a: {  	_ =	swait.ge [sflag:s16], $0x4000  }
0x3b: {  	p0 =	sne.s32 s6, $0x1;
	[sflag:s16] =	ssyncset.done $0x0  }
.Ltmp0:
0x3c: {  	[sflag:s16] =	ssyncadd.s32 $0xFFFFC000;
	(pc) =	sbr.rel @p0 .LBB2_1-.Ltmp0, $4  }
0x3d: {  	[hbm4b:s5+s3] =	stream.linear.scatter [tilespmem:s8], [sflag:$0x2], $0x4000, $0x38;
	[tilespmem:$0x4080] =	vst v63  }
0x3e: {  	_ =	swait.ge [sflag:s7], $0x4000  }
0x3f: {  	[sflag:s7] =	ssyncset.done $0x0  }
0x40: {  	s6 =	sadd.s32 $0xFFFFFFFF, s6;
	[sflag:s7] =	ssyncadd.s32 $0xFFFFC000  }
0x41: {  	_ =	sfence.sel $0x180000  }
0x42: {  	[bflag:$0x0] =	sbarrier.arrive $0xFFFF  }
0x43: {  	p0 =	sne.s32 s2, $0x0;
	_ =	strace $0x90000047  }
0x44: {  	s0 =	sadd.s32 @!p0 $0x100000, s0;
	[bflag:$0x2] =	sbarrier.arrive $0xFFFF  }
0x45: {  	[sflag:s0] =	ssyncadd.tile.s32 @!p0 $0x1;
	_ =	shalt  }
.Lfunc_end2:
_tile_overlayer_lowered:
.L_overlay_start_2:
0x46: {  	(tag) =	ssettag $0x2  }
0x47: {  	s0 =	rddreg [dreg:$0x0];
	s2 =	stileid.u32  }
0x48: {  	s1 =	rddreg [dreg:$0x1];
	p0 =	sne.s32 s2, $0x0  }
0x49: {  	s3 =	rddreg [dreg:$0x2];
	[bflag:$0x3] =	sbarrier.arrive $0xFFFF;
	s2 =	simm.s32 @!p0 $0x1C02  }
0x4a: {  	[timem:s3], [sflag:s2] =	dma.local @!p0 [hbm:s0], s1  }
0x4b: {  	s0 =	simm.s32 @!p0 $0x2  }
0x4c: {  	_ =	swait.ge @!p0 [sflag:s0], s1  }
0x4d: {  	s1 =	ssub.s32 @!p0 $0x0, s1;
	[sflag:s0] =	ssyncset.done @!p0 $0x0  }
0x4e: {  	[sflag:s0] =	ssyncadd.s32 @!p0 s1  }
0x4f: {  	[bflag:$0x3] =	sbarrier.arrive $0xFFFF  }
0x50: {  	_ =	shalt  }

</sc_bundles>
